<compile_context>
chip_gen: v7x
topology: tpu7x:2x2x1
jax: 0.10.2.dev20260603
libtpu: 0.0.44.dev20260713+nightly
codegen_flags: <defaults>
</compile_context>

<pallas_src>
import jax
import jax.numpy as jnp
from jax import lax
from jax.experimental import pallas as pl
from jax.experimental.pallas import tpu as pltpu
from jax.experimental.pallas import tpu_sc as plsc

N_NODES = 10000
N_EDGES = 160000
IN_DIM = 256
OUT_DIM = 256

NC = 2
NS = 16
HALF = IN_DIM // 2
CHUNK = 128
CHUNKS_PER_TILE = 80
E_PAD = NS * CHUNKS_PER_TILE * CHUNK
AGG_ROWS = 10008
TRASH_ROW = N_NODES

IDX_GROUP = 32
GROUPS = [(0, 32), (32, 32), (64, 16)]

SLAB = 632
LAST_SLAB = N_NODES - 15 * SLAB
LAST_BASE = 15 * SLAB


def _sc_agg_body(fs, srcs, dsts, zrows, out,
                 srcA, srcB, dstA, dstB, rA, rB, agg_sh,
                 gA, gB, sA, sB, iS):
    rows_b = [rA, rB]
    gsems = [gA, gB]
    ssems = [sA, sB]
    src_pair = [srcA, srcB]
    dst_pair = [dstA, dstB]
    cid = lax.axis_index("c")
    sid = lax.axis_index("s")
    tbase = sid * CHUNKS_PER_TILE

    def load_idx(gi):
        gbase, gsize = GROUPS[gi]
        p = gi % 2
        pltpu.async_copy(srcs.at[pl.ds(tbase + gbase, gsize)],
                         src_pair[p].at[pl.ds(0, gsize)], iS)
        pltpu.async_copy(dsts.at[pl.ds(tbase + gbase, gsize)],
                         dst_pair[p].at[pl.ds(0, gsize)], iS)

    def wait_idx(gi):
        gbase, gsize = GROUPS[gi]
        p = gi % 2
        pltpu.make_async_copy(srcs.at[pl.ds(tbase + gbase, gsize)],
                              src_pair[p].at[pl.ds(0, gsize)], iS).wait()
        pltpu.make_async_copy(dsts.at[pl.ds(tbase + gbase, gsize)],
                              dst_pair[p].at[pl.ds(0, gsize)], iS).wait()

    load_idx(0)

    @pl.when(sid < 15)
    def _():
        pltpu.sync_copy(zrows, agg_sh.at[pl.ds(sid * SLAB, SLAB)])

    @pl.when(sid == 15)
    def _():
        pltpu.sync_copy(zrows.at[pl.ds(0, LAST_SLAB)],
                        agg_sh.at[pl.ds(LAST_BASE, LAST_SLAB)])

    wait_idx(0)
    plsc.subcore_barrier()

    def edge_pass(feat):
        def start_gather(sv, c, b):
            pltpu.async_copy(feat.at[sv.at[c]], rows_b[b], gsems[b])

        def wait_gather(sv, b):
            pltpu.make_async_copy(feat.at[sv.at[0]], rows_b[b],
                                  gsems[b]).wait()

        def start_scatter(dv, c, b):
            pltpu.async_copy(rows_b[b], agg_sh.at[dv.at[c]], ssems[b],
                             add=True)

        def wait_scatter(dv, b):
            pltpu.make_async_copy(rows_b[b], agg_sh.at[dv.at[0]],
                                  ssems[b]).wait()

        for gi, (gbase, gsize) in enumerate(GROUPS):
            sv = src_pair[gi % 2]
            dv = dst_pair[gi % 2]
            if gi + 1 < len(GROUPS):
                load_idx(gi + 1)
            start_gather(sv, 0, 0)
            start_gather(sv, 1, 1)

            def step(jo, carry):
                for b in range(2):
                    c = jo * 2 + b
                    wait_gather(sv, b)
                    start_scatter(dv, c, b)

                    @pl.when(c + 2 < gsize)
                    def _():
                        wait_scatter(dv, b)
                        start_gather(sv, c + 2, b)
                return carry

            lax.fori_loop(0, gsize // 2, step, 0)
            for b in range(2):
                wait_scatter(dv, b)
            if gi + 1 < len(GROUPS):
                wait_idx(gi + 1)

    edge_pass(fs.at[cid])

    plsc.subcore_barrier()

    @pl.when(sid < 15)
    def _():
        pltpu.sync_copy(agg_sh.at[pl.ds(sid * SLAB, SLAB)],
                        out.at[cid, pl.ds(sid * SLAB, SLAB)])

    @pl.when(sid == 15)
    def _():
        pltpu.sync_copy(agg_sh.at[pl.ds(LAST_BASE, LAST_SLAB)],
                        out.at[cid, pl.ds(LAST_BASE, LAST_SLAB)])


_sc_agg = pl.kernel(
    _sc_agg_body,
    out_type=jax.ShapeDtypeStruct((NC, N_NODES, HALF), jnp.float32),
    mesh=plsc.VectorSubcoreMesh(core_axis_name="c", subcore_axis_name="s",
                                num_cores=NC, num_subcores=NS),
    scratch_types=[
        pltpu.VMEM((IDX_GROUP, CHUNK), jnp.int32),
        pltpu.VMEM((IDX_GROUP, CHUNK), jnp.int32),
        pltpu.VMEM((IDX_GROUP, CHUNK), jnp.int32),
        pltpu.VMEM((IDX_GROUP, CHUNK), jnp.int32),
        pltpu.VMEM((CHUNK, HALF), jnp.float32),
        pltpu.VMEM((CHUNK, HALF), jnp.float32),
        pltpu.VMEM_SHARED((AGG_ROWS, HALF), jnp.float32),
    ] + [pltpu.SemaphoreType.DMA] * 5,
)


ROW_BLK = 2000
GRID = N_NODES // ROW_BLK


def _tc_body(f_ref, a0_ref, a1_ref, w1_ref, w2a_ref, w2b_ref, w3_ref,
             out_ref, acc_ref):
    i = pl.program_id(0)
    z = jnp.tanh(
        jnp.dot(f_ref[...], w1_ref[...], preferred_element_type=jnp.float32)
        + jnp.dot(a0_ref[...], w2a_ref[...],
                  preferred_element_type=jnp.float32)
        + jnp.dot(a1_ref[...], w2b_ref[...],
                  preferred_element_type=jnp.float32))
    p = jnp.sum(z, axis=0, keepdims=True)

    @pl.when(i == 0)
    def _():
        acc_ref[...] = p

    @pl.when(i != 0)
    def _():
        acc_ref[...] = acc_ref[...] + p

    @pl.when(i == GRID - 1)
    def _():
        out_ref[...] = jnp.dot(acc_ref[...], w3_ref[...],
                               preferred_element_type=jnp.float32)


_tc_pool = pl.pallas_call(
    _tc_body,
    grid=(GRID,),
    in_specs=[
        pl.BlockSpec((ROW_BLK, IN_DIM), lambda i: (i, 0)),
        pl.BlockSpec((ROW_BLK, HALF), lambda i: (i, 0)),
        pl.BlockSpec((ROW_BLK, HALF), lambda i: (i, 0)),
        pl.BlockSpec((IN_DIM, OUT_DIM), lambda i: (0, 0)),
        pl.BlockSpec((HALF, OUT_DIM), lambda i: (0, 0)),
        pl.BlockSpec((HALF, OUT_DIM), lambda i: (0, 0)),
        pl.BlockSpec((OUT_DIM, OUT_DIM), lambda i: (0, 0)),
    ],
    out_specs=pl.BlockSpec((1, OUT_DIM), lambda i: (0, 0)),
    out_shape=jax.ShapeDtypeStruct((1, OUT_DIM), jnp.float32),
    scratch_shapes=[pltpu.VMEM((1, OUT_DIM), jnp.float32)],
)


@jax.jit
def kernel(features, edge_index, W1, W2, W3):
    f0 = features[:, :HALF]
    f1 = features[:, HALF:]

    src = edge_index[0]
    dst = edge_index[1]
    pad = E_PAD - N_EDGES
    src_p = jnp.concatenate(
        [src, jnp.zeros((pad,), jnp.int32)]).reshape(-1, CHUNK)
    dst_p = jnp.concatenate(
        [dst, jnp.full((pad,), TRASH_ROW, jnp.int32)]).reshape(-1, CHUNK)

    zrows = jnp.zeros((SLAB, HALF), jnp.float32)

    fs = jnp.stack([f0, f1])
    agg = _sc_agg(fs, src_p, dst_p, zrows)

    return _tc_pool(features, agg[0], agg[1], W1, W2[:HALF], W2[HALF:], W3)

# --- scband reference (transcript-rebuilt; emitter-appended) ---
"""Pipeline reference for scband-gemini-35957466202624 (READ-ONLY COPY).

The authoritative reference and input builder live on the scoring server;
editing this copy changes nothing except your own understanding.
"""

import jax, jax.numpy as jnp
import numpy as np

N_NODES = 10000
N_EDGES = 160000
IN_DIM = 256
OUT_DIM = 256


def setup_inputs(seed: int = 0) -> dict:
    key = jax.random.key(seed)
    k1, k2, k3, k4, k5 = jax.random.split(key, 5)
    features = jax.random.normal(k1, (N_NODES, IN_DIM), dtype=jnp.float32)
    edge_index = jax.random.randint(k2, (2, N_EDGES), 0, N_NODES, dtype=jnp.int32)
    # Structure2vec parameters: W1 transforms raw node features, W2 transforms
    # the neighbor-aggregated features. Final linear W3 (no bias) after sum_nodes.
    s1 = 1.0 / np.sqrt(IN_DIM)
    s2 = 1.0 / np.sqrt(OUT_DIM)
    W1 = jax.random.normal(k3, (IN_DIM, OUT_DIM), dtype=jnp.float32) * s1
    W2 = jax.random.normal(k4, (IN_DIM, OUT_DIM), dtype=jnp.float32) * s1
    W3 = jax.random.normal(k5, (OUT_DIM, OUT_DIM), dtype=jnp.float32) * s2
    return {"features": features, "edge_index": edge_index, "W1": W1, "W2": W2, "W3": W3}


def reference(features, edge_index, W1, W2, W3):
    # Structure2vec layer: mu_v = tanh(W1 x_v + W2 * sum_{u in N(v)} x_u)
    src = edge_index[0]
    dst = edge_index[1]
    messages = jnp.take(features, src, axis=0)           # gather [E, in_dim]
    agg = jnp.zeros_like(features).at[dst].add(messages)  # scatter-add [N, in_dim]
    new_features = jnp.tanh(features @ W1 + agg @ W2)     # [N, out_dim]
    # sum_nodes over the (single) graph, then final bias-free linear
    pooled = jnp.sum(new_features, axis=0, keepdims=True)  # [1, out_dim]
    res = pooled @ W3                                       # [1, out_dim]
    return res

if __name__ == "__main__":
    import jax
    _d = setup_inputs()
    print(jax.jit(kernel)(*tuple(_d.values())))

</pallas_src>

<mosaic_0001>
#map = affine_map<(d0, d1) -> (0, 0, 0)>
#map1 = affine_map<(d0, d1) -> (0, 0)>
module attributes {stable_mosaic.version = 14 : i64} {
  func.func @_sc_agg_body(%arg0: i32, %arg1: i32, %arg2: memref<2x10000x128xf32, #tpu.memory_space<hbm>>, %arg3: memref<1280x128xi32, #tpu.memory_space<hbm>>, %arg4: memref<1280x128xi32, #tpu.memory_space<hbm>>, %arg5: memref<632x128xf32, #tpu.memory_space<hbm>>, %arg6: memref<2x10000x128xf32, #tpu.memory_space<hbm>>, %arg7: memref<32x128xi32, #tpu.memory_space<vmem>>, %arg8: memref<32x128xi32, #tpu.memory_space<vmem>>, %arg9: memref<32x128xi32, #tpu.memory_space<vmem>>, %arg10: memref<32x128xi32, #tpu.memory_space<vmem>>, %arg11: memref<128x128xf32, #tpu.memory_space<vmem>>, %arg12: memref<128x128xf32, #tpu.memory_space<vmem>>, %arg13: memref<10008x128xf32, #tpu.memory_space<vmem_shared>>, %arg14: memref<!tpu.dma_semaphore, #tpu.memory_space<semaphore_mem>>, %arg15: memref<!tpu.dma_semaphore, #tpu.memory_space<semaphore_mem>>, %arg16: memref<!tpu.dma_semaphore, #tpu.memory_space<semaphore_mem>>, %arg17: memref<!tpu.dma_semaphore, #tpu.memory_space<semaphore_mem>>, %arg18: memref<!tpu.dma_semaphore, #tpu.memory_space<semaphore_mem>>) attributes {dimension_semantics = [#tpu.dimension_semantics<core_parallel>, #tpu.dimension_semantics<subcore_parallel>], iteration_bounds = array<i64: 2, 16>, scalar_prefetch = 0 : i64, scratch_operands = 12 : i64, tpu.core_type = #tpu.core_type<sc_vector_subcore>, window_params = [{transform_indices = #map}, {transform_indices = #map1}, {transform_indices = #map1}, {transform_indices = #map1}, {transform_indices = #map}]} {
    %mul3A = arith.constant 80 : i32
    %mul3A_0 = arith.muli %arg1, %mul3A : i32
    %add3A = arith.constant 0 : i32
    %add3A_1 = arith.addi %mul3A_0, %add3A : i32
    %dma_start3A = arith.constant 0 : i32
    %dma_start3A_2 = arith.constant 0 : i32
    %dma_start3A_3 = tpu.memref_slice %arg7[%dma_start3A, %dma_start3A_2] : memref<32x128xi32, #tpu.memory_space<vmem>> -> memref<32x128xi32, #tpu.memory_space<vmem>>
    %dma_start3A_4 = arith.constant 0 : i32
    %dma_start3A_5 = tpu.memref_slice %arg3[%add3A_1, %dma_start3A_4] : memref<1280x128xi32, #tpu.memory_space<hbm>> -> memref<32x128xi32, #tpu.memory_space<hbm>>
    %dma_start3A_6 = arith.constant 0 : i32
    %dma_start3A_7 = arith.constant 0 : i32
    %dma_start3A_8 = tpu.memref_slice %arg7[%dma_start3A_6, %dma_start3A_7] : memref<32x128xi32, #tpu.memory_space<vmem>> -> memref<32x128xi32, #tpu.memory_space<vmem>>
    %dma_start3A_9 = arith.constant 0 : i32
    %dma_start3A_10 = tpu.memref_slice %arg3[%add3A_1, %dma_start3A_9] : memref<1280x128xi32, #tpu.memory_space<hbm>> -> memref<32x128xi32, #tpu.memory_space<hbm>>
    tpu.enqueue_dma source(%dma_start3A_10 : memref<32x128xi32, #tpu.memory_space<hbm>>) target(%dma_start3A_8 : memref<32x128xi32, #tpu.memory_space<vmem>>) target_semaphore(%arg18 : memref<!tpu.dma_semaphore, #tpu.memory_space<semaphore_mem>>)
    %add3A_11 = arith.constant 0 : i32
    %add3A_12 = arith.addi %mul3A_0, %add3A_11 : i32
    %dma_start3A_13 = arith.constant 0 : i32
    %dma_start3A_14 = arith.constant 0 : i32
    %dma_start3A_15 = tpu.memref_slice %arg9[%dma_start3A_13, %dma_start3A_14] : memref<32x128xi32, #tpu.memory_space<vmem>> -> memref<32x128xi32, #tpu.memory_space<vmem>>
    %dma_start3A_16 = arith.constant 0 : i32
    %dma_start3A_17 = tpu.memref_slice %arg4[%add3A_12, %dma_start3A_16] : memref<1280x128xi32, #tpu.memory_space<hbm>> -> memref<32x128xi32, #tpu.memory_space<hbm>>
    %dma_start3A_18 = arith.constant 0 : i32
    %dma_start3A_19 = arith.constant 0 : i32
    %dma_start3A_20 = tpu.memref_slice %arg9[%dma_start3A_18, %dma_start3A_19] : memref<32x128xi32, #tpu.memory_space<vmem>> -> memref<32x128xi32, #tpu.memory_space<vmem>>
    %dma_start3A_21 = arith.constant 0 : i32
    %dma_start3A_22 = tpu.memref_slice %arg4[%add3A_12, %dma_start3A_21] : memref<1280x128xi32, #tpu.memory_space<hbm>> -> memref<32x128xi32, #tpu.memory_space<hbm>>
    tpu.enqueue_dma source(%dma_start3A_22 : memref<32x128xi32, #tpu.memory_space<hbm>>) target(%dma_start3A_20 : memref<32x128xi32, #tpu.memory_space<vmem>>) target_semaphore(%arg18 : memref<!tpu.dma_semaphore, #tpu.memory_space<semaphore_mem>>)
    %lt3A = arith.constant 15 : i32
    %lt3A_23 = arith.cmpi slt, %arg1, %lt3A : i32
    %convert_element_type3A = arith.extui %lt3A_23 : i1 to i32
    %cond3A = arith.constant 0 : i32
    %cond3A_24 = arith.cmpi ne, %convert_element_type3A, %cond3A : i32
    scf.if %cond3A_24 {
      %mul3A_284 = arith.constant 632 : i32
      %mul3A_285 = arith.muli %arg1, %mul3A_284 : i32
      "tpu.region"() ({
        %run_scoped3A = tpu.sem_alloc : memref<!tpu.dma_semaphore, #tpu.memory_space<semaphore_mem>>
        %dma_start3A_286 = arith.constant 0 : i32
        %dma_start3A_287 = tpu.memref_slice %arg13[%mul3A_285, %dma_start3A_286] : memref<10008x128xf32, #tpu.memory_space<vmem_shared>> -> memref<632x128xf32, #tpu.memory_space<vmem_shared>>
        tpu.enqueue_dma source(%arg5 : memref<632x128xf32, #tpu.memory_space<hbm>>) target(%dma_start3A_287 : memref<632x128xf32, #tpu.memory_space<vmem_shared>>) target_semaphore(%run_scoped3A : memref<!tpu.dma_semaphore, #tpu.memory_space<semaphore_mem>>)
        %dma_wait3A_288 = arith.constant 0 : i32
        %dma_wait3A_289 = tpu.memref_slice %arg13[%mul3A_285, %dma_wait3A_288] : memref<10008x128xf32, #tpu.memory_space<vmem_shared>> -> memref<632x128xf32, #tpu.memory_space<vmem_shared>>
        tpu.wait_dma2 semaphore(%run_scoped3A : memref<!tpu.dma_semaphore, #tpu.memory_space<semaphore_mem>>) src(%arg5 : memref<632x128xf32, #tpu.memory_space<hbm>>) dst(%dma_wait3A_289 : memref<632x128xf32, #tpu.memory_space<vmem_shared>>)
        tpu.yield
      }) : () -> ()
    } else {
    }
    %eq3A = arith.constant 15 : i32
    %eq3A_25 = arith.cmpi eq, %arg1, %eq3A : i32
    %convert_element_type3A_26 = arith.extui %eq3A_25 : i1 to i32
    %cond3A_27 = arith.constant 0 : i32
    %cond3A_28 = arith.cmpi ne, %convert_element_type3A_26, %cond3A_27 : i32
    scf.if %cond3A_28 {
      "tpu.region"() ({
        %run_scoped3A = tpu.sem_alloc : memref<!tpu.dma_semaphore, #tpu.memory_space<semaphore_mem>>
        %dma_start3A_284 = arith.constant 9480 : i32
        %dma_start3A_285 = arith.constant 0 : i32
        %dma_start3A_286 = tpu.memref_slice %arg13[%dma_start3A_284, %dma_start3A_285] : memref<10008x128xf32, #tpu.memory_space<vmem_shared>> -> memref<520x128xf32, #tpu.memory_space<vmem_shared>>
        %dma_start3A_287 = arith.constant 0 : i32
        %dma_start3A_288 = arith.constant 0 : i32
        %dma_start3A_289 = tpu.memref_slice %arg5[%dma_start3A_287, %dma_start3A_288] : memref<632x128xf32, #tpu.memory_space<hbm>> -> memref<520x128xf32, #tpu.memory_space<hbm>>
        tpu.enqueue_dma source(%dma_start3A_289 : memref<520x128xf32, #tpu.memory_space<hbm>>) target(%dma_start3A_286 : memref<520x128xf32, #tpu.memory_space<vmem_shared>>) target_semaphore(%run_scoped3A : memref<!tpu.dma_semaphore, #tpu.memory_space<semaphore_mem>>)
        %dma_wait3A_290 = arith.constant 9480 : i32
        %dma_wait3A_291 = arith.constant 0 : i32
        %dma_wait3A_292 = tpu.memref_slice %arg13[%dma_wait3A_290, %dma_wait3A_291] : memref<10008x128xf32, #tpu.memory_space<vmem_shared>> -> memref<520x128xf32, #tpu.memory_space<vmem_shared>>
        %dma_wait3A_293 = arith.constant 0 : i32
        %dma_wait3A_294 = arith.constant 0 : i32
        %dma_wait3A_295 = tpu.memref_slice %arg5[%dma_wait3A_293, %dma_wait3A_294] : memref<632x128xf32, #tpu.memory_space<hbm>> -> memref<520x128xf32, #tpu.memory_space<hbm>>
        tpu.wait_dma2 semaphore(%run_scoped3A : memref<!tpu.dma_semaphore, #tpu.memory_space<semaphore_mem>>) src(%dma_wait3A_295 : memref<520x128xf32, #tpu.memory_space<hbm>>) dst(%dma_wait3A_292 : memref<520x128xf32, #tpu.memory_space<vmem_shared>>)
        tpu.yield
      }) : () -> ()
    } else {
    }
    %add3A_29 = arith.constant 0 : i32
    %add3A_30 = arith.addi %mul3A_0, %add3A_29 : i32
    %dma_wait3A = arith.constant 0 : i32
    %dma_wait3A_31 = arith.constant 0 : i32
    %dma_wait3A_32 = tpu.memref_slice %arg7[%dma_wait3A, %dma_wait3A_31] : memref<32x128xi32, #tpu.memory_space<vmem>> -> memref<32x128xi32, #tpu.memory_space<vmem>>
    %dma_wait3A_33 = arith.constant 0 : i32
    %dma_wait3A_34 = tpu.memref_slice %arg3[%add3A_30, %dma_wait3A_33] : memref<1280x128xi32, #tpu.memory_space<hbm>> -> memref<32x128xi32, #tpu.memory_space<hbm>>
    %dma_wait3A_35 = arith.constant 0 : i32
    %dma_wait3A_36 = arith.constant 0 : i32
    %dma_wait3A_37 = tpu.memref_slice %arg7[%dma_wait3A_35, %dma_wait3A_36] : memref<32x128xi32, #tpu.memory_space<vmem>> -> memref<32x128xi32, #tpu.memory_space<vmem>>
    %dma_wait3A_38 = arith.constant 0 : i32
    %dma_wait3A_39 = tpu.memref_slice %arg3[%add3A_30, %dma_wait3A_38] : memref<1280x128xi32, #tpu.memory_space<hbm>> -> memref<32x128xi32, #tpu.memory_space<hbm>>
    tpu.wait_dma2 semaphore(%arg18 : memref<!tpu.dma_semaphore, #tpu.memory_space<semaphore_mem>>) src(%dma_wait3A_39 : memref<32x128xi32, #tpu.memory_space<hbm>>) dst(%dma_wait3A_37 : memref<32x128xi32, #tpu.memory_space<vmem>>)
    %add3A_40 = arith.constant 0 : i32
    %add3A_41 = arith.addi %mul3A_0, %add3A_40 : i32
    %dma_wait3A_42 = arith.constant 0 : i32
    %dma_wait3A_43 = arith.constant 0 : i32
    %dma_wait3A_44 = tpu.memref_slice %arg9[%dma_wait3A_42, %dma_wait3A_43] : memref<32x128xi32, #tpu.memory_space<vmem>> -> memref<32x128xi32, #tpu.memory_space<vmem>>
    %dma_wait3A_45 = arith.constant 0 : i32
    %dma_wait3A_46 = tpu.memref_slice %arg4[%add3A_41, %dma_wait3A_45] : memref<1280x128xi32, #tpu.memory_space<hbm>> -> memref<32x128xi32, #tpu.memory_space<hbm>>
    %dma_wait3A_47 = arith.constant 0 : i32
    %dma_wait3A_48 = arith.constant 0 : i32
    %dma_wait3A_49 = tpu.memref_slice %arg9[%dma_wait3A_47, %dma_wait3A_48] : memref<32x128xi32, #tpu.memory_space<vmem>> -> memref<32x128xi32, #tpu.memory_space<vmem>>
    %dma_wait3A_50 = arith.constant 0 : i32
    %dma_wait3A_51 = tpu.memref_slice %arg4[%add3A_41, %dma_wait3A_50] : memref<1280x128xi32, #tpu.memory_space<hbm>> -> memref<32x128xi32, #tpu.memory_space<hbm>>
    tpu.wait_dma2 semaphore(%arg18 : memref<!tpu.dma_semaphore, #tpu.memory_space<semaphore_mem>>) src(%dma_wait3A_51 : memref<32x128xi32, #tpu.memory_space<hbm>>) dst(%dma_wait3A_49 : memref<32x128xi32, #tpu.memory_space<vmem>>)
    %barrier3A = arith.constant 0 : index
    tpu.barrier barrier_id(%barrier3A)
    %add3A_52 = arith.constant 32 : i32
    %add3A_53 = arith.addi %mul3A_0, %add3A_52 : i32
    %dma_start3A_54 = arith.constant 0 : i32
    %dma_start3A_55 = arith.constant 0 : i32
    %dma_start3A_56 = tpu.memref_slice %arg8[%dma_start3A_54, %dma_start3A_55] : memref<32x128xi32, #tpu.memory_space<vmem>> -> memref<32x128xi32, #tpu.memory_space<vmem>>
    %dma_start3A_57 = arith.constant 0 : i32
    %dma_start3A_58 = tpu.memref_slice %arg3[%add3A_53, %dma_start3A_57] : memref<1280x128xi32, #tpu.memory_space<hbm>> -> memref<32x128xi32, #tpu.memory_space<hbm>>
    %dma_start3A_59 = arith.constant 0 : i32
    %dma_start3A_60 = arith.constant 0 : i32
    %dma_start3A_61 = tpu.memref_slice %arg8[%dma_start3A_59, %dma_start3A_60] : memref<32x128xi32, #tpu.memory_space<vmem>> -> memref<32x128xi32, #tpu.memory_space<vmem>>
    %dma_start3A_62 = arith.constant 0 : i32
    %dma_start3A_63 = tpu.memref_slice %arg3[%add3A_53, %dma_start3A_62] : memref<1280x128xi32, #tpu.memory_space<hbm>> -> memref<32x128xi32, #tpu.memory_space<hbm>>
    tpu.enqueue_dma source(%dma_start3A_63 : memref<32x128xi32, #tpu.memory_space<hbm>>) target(%dma_start3A_61 : memref<32x128xi32, #tpu.memory_space<vmem>>) target_semaphore(%arg18 : memref<!tpu.dma_semaphore, #tpu.memory_space<semaphore_mem>>)
    %add3A_64 = arith.constant 32 : i32
    %add3A_65 = arith.addi %mul3A_0, %add3A_64 : i32
    %dma_start3A_66 = arith.constant 0 : i32
    %dma_start3A_67 = arith.constant 0 : i32
    %dma_start3A_68 = tpu.memref_slice %arg10[%dma_start3A_66, %dma_start3A_67] : memref<32x128xi32, #tpu.memory_space<vmem>> -> memref<32x128xi32, #tpu.memory_space<vmem>>
    %dma_start3A_69 = arith.constant 0 : i32
    %dma_start3A_70 = tpu.memref_slice %arg4[%add3A_65, %dma_start3A_69] : memref<1280x128xi32, #tpu.memory_space<hbm>> -> memref<32x128xi32, #tpu.memory_space<hbm>>
    %dma_start3A_71 = arith.constant 0 : i32
    %dma_start3A_72 = arith.constant 0 : i32
    %dma_start3A_73 = tpu.memref_slice %arg10[%dma_start3A_71, %dma_start3A_72] : memref<32x128xi32, #tpu.memory_space<vmem>> -> memref<32x128xi32, #tpu.memory_space<vmem>>
    %dma_start3A_74 = arith.constant 0 : i32
    %dma_start3A_75 = tpu.memref_slice %arg4[%add3A_65, %dma_start3A_74] : memref<1280x128xi32, #tpu.memory_space<hbm>> -> memref<32x128xi32, #tpu.memory_space<hbm>>
    tpu.enqueue_dma source(%dma_start3A_75 : memref<32x128xi32, #tpu.memory_space<hbm>>) target(%dma_start3A_73 : memref<32x128xi32, #tpu.memory_space<vmem>>) target_semaphore(%arg18 : memref<!tpu.dma_semaphore, #tpu.memory_space<semaphore_mem>>)
    %dma_start3A_76 = arith.constant 0 : i32
    %dma_start3A_77 = arith.constant 0 : i32
    %dma_start3A_78 = tpu.memref_slice %arg7[%dma_start3A_76, %dma_start3A_77] : memref<32x128xi32, #tpu.memory_space<vmem>> -> memref<1x128xi32, #tpu.memory_space<vmem>>
    %dma_start3A_79 = tpu.memref_squeeze %dma_start3A_78 : memref<1x128xi32, #tpu.memory_space<vmem>> -> memref<128xi32, #tpu.memory_space<vmem>>
    %dma_start3A_80 = arith.constant 0 : i32
    %dma_start3A_81 = arith.constant 0 : i32
    %dma_start3A_82 = tpu.memref_slice %arg2[%arg0, %dma_start3A_80, %dma_start3A_81] : memref<2x10000x128xf32, #tpu.memory_space<hbm>> -> memref<1x10000x128xf32, #tpu.memory_space<hbm>>
    %dma_start3A_83 = tpu.memref_squeeze %dma_start3A_82 : memref<1x10000x128xf32, #tpu.memory_space<hbm>> -> memref<10000x128xf32, #tpu.memory_space<hbm>>
    %dma_start3A_84 = arith.constant 0 : i32
    %dma_start3A_85 = arith.constant 0 : i32
    %dma_start3A_86 = tpu.memref_slice %dma_start3A_83[%dma_start3A_84, %dma_start3A_85] : memref<10000x128xf32, #tpu.memory_space<hbm>> -> memref<10000x128xf32, #tpu.memory_space<hbm>>
    tpu.enqueue_indirect_dma source(%dma_start3A_86 : memref<10000x128xf32, #tpu.memory_space<hbm>>) target(%arg11 : memref<128x128xf32, #tpu.memory_space<vmem>>) offsets(%dma_start3A_79 : memref<128xi32, #tpu.memory_space<vmem>>) semaphore(%arg14 : memref<!tpu.dma_semaphore, #tpu.memory_space<semaphore_mem>>)
    %dma_start3A_87 = arith.constant 1 : i32
    %dma_start3A_88 = arith.constant 0 : i32
    %dma_start3A_89 = tpu.memref_slice %arg7[%dma_start3A_87, %dma_start3A_88] : memref<32x128xi32, #tpu.memory_space<vmem>> -> memref<1x128xi32, #tpu.memory_space<vmem>>
    %dma_start3A_90 = tpu.memref_squeeze %dma_start3A_89 : memref<1x128xi32, #tpu.memory_space<vmem>> -> memref<128xi32, #tpu.memory_space<vmem>>
    %dma_start3A_91 = arith.constant 0 : i32
    %dma_start3A_92 = arith.constant 0 : i32
    %dma_start3A_93 = tpu.memref_slice %arg2[%arg0, %dma_start3A_91, %dma_start3A_92] : memref<2x10000x128xf32, #tpu.memory_space<hbm>> -> memref<1x10000x128xf32, #tpu.memory_space<hbm>>
    %dma_start3A_94 = tpu.memref_squeeze %dma_start3A_93 : memref<1x10000x128xf32, #tpu.memory_space<hbm>> -> memref<10000x128xf32, #tpu.memory_space<hbm>>
    %dma_start3A_95 = arith.constant 0 : i32
    %dma_start3A_96 = arith.constant 0 : i32
    %dma_start3A_97 = tpu.memref_slice %dma_start3A_94[%dma_start3A_95, %dma_start3A_96] : memref<10000x128xf32, #tpu.memory_space<hbm>> -> memref<10000x128xf32, #tpu.memory_space<hbm>>
    tpu.enqueue_indirect_dma source(%dma_start3A_97 : memref<10000x128xf32, #tpu.memory_space<hbm>>) target(%arg12 : memref<128x128xf32, #tpu.memory_space<vmem>>) offsets(%dma_start3A_90 : memref<128xi32, #tpu.memory_space<vmem>>) semaphore(%arg15 : memref<!tpu.dma_semaphore, #tpu.memory_space<semaphore_mem>>)
    %scan3A = arith.constant 0 : i32
    %scan3A_98 = arith.constant 0 : i32
    %scan3A_99 = arith.constant 16 : i32
    %scan3A_100 = arith.addi %scan3A_98, %scan3A_99 : i32
    %scan3A_101 = arith.constant 1 : i32
    scf.for %scan3A_284 = %scan3A_98 to %scan3A_100 step %scan3A_101  : i32 {
      %mul3A_285 = arith.constant 2 : i32
      %mul3A_286 = arith.muli %scan3A_284, %mul3A_285 : i32
      %add3A_287 = arith.constant 0 : i32
      %add3A_288 = arith.addi %mul3A_286, %add3A_287 : i32
      %dma_wait3A_289 = arith.constant 0 : i32
      %dma_wait3A_290 = arith.constant 0 : i32
      %dma_wait3A_291 = tpu.memref_slice %arg7[%dma_wait3A_289, %dma_wait3A_290] : memref<32x128xi32, #tpu.memory_space<vmem>> -> memref<1x128xi32, #tpu.memory_space<vmem>>
      %dma_wait3A_292 = tpu.memref_squeeze %dma_wait3A_291 : memref<1x128xi32, #tpu.memory_space<vmem>> -> memref<128xi32, #tpu.memory_space<vmem>>
      %dma_wait3A_293 = arith.constant 0 : i32
      %dma_wait3A_294 = arith.constant 0 : i32
      %dma_wait3A_295 = tpu.memref_slice %arg2[%arg0, %dma_wait3A_293, %dma_wait3A_294] : memref<2x10000x128xf32, #tpu.memory_space<hbm>> -> memref<1x10000x128xf32, #tpu.memory_space<hbm>>
      %dma_wait3A_296 = tpu.memref_squeeze %dma_wait3A_295 : memref<1x10000x128xf32, #tpu.memory_space<hbm>> -> memref<10000x128xf32, #tpu.memory_space<hbm>>
      %dma_wait3A_297 = arith.constant 0 : i32
      %dma_wait3A_298 = arith.constant 0 : i32
      %dma_wait3A_299 = tpu.memref_slice %dma_wait3A_296[%dma_wait3A_297, %dma_wait3A_298] : memref<10000x128xf32, #tpu.memory_space<hbm>> -> memref<10000x128xf32, #tpu.memory_space<hbm>>
      tpu.wait_indirect_dma semaphore(%arg14 : memref<!tpu.dma_semaphore, #tpu.memory_space<semaphore_mem>>) src(%dma_wait3A_299 : memref<10000x128xf32, #tpu.memory_space<hbm>>) dst(%arg11 : memref<128x128xf32, #tpu.memory_space<vmem>>)
      %dma_start3A_300 = arith.constant 0 : i32
      %dma_start3A_301 = tpu.memref_slice %arg9[%add3A_288, %dma_start3A_300] : memref<32x128xi32, #tpu.memory_space<vmem>> -> memref<1x128xi32, #tpu.memory_space<vmem>>
      %dma_start3A_302 = tpu.memref_squeeze %dma_start3A_301 : memref<1x128xi32, #tpu.memory_space<vmem>> -> memref<128xi32, #tpu.memory_space<vmem>>
      %dma_start3A_303 = arith.constant 0 : i32
      %dma_start3A_304 = arith.constant 0 : i32
      %dma_start3A_305 = tpu.memref_slice %arg13[%dma_start3A_303, %dma_start3A_304] : memref<10008x128xf32, #tpu.memory_space<vmem_shared>> -> memref<10008x128xf32, #tpu.memory_space<vmem_shared>>
      tpu.enqueue_indirect_dma source(%arg11 : memref<128x128xf32, #tpu.memory_space<vmem>>) target(%dma_start3A_305 : memref<10008x128xf32, #tpu.memory_space<vmem_shared>>) offsets(%dma_start3A_302 : memref<128xi32, #tpu.memory_space<vmem>>) semaphore(%arg16 : memref<!tpu.dma_semaphore, #tpu.memory_space<semaphore_mem>>) {add = true}
      %add3A_306 = arith.constant 2 : i32
      %add3A_307 = arith.addi %add3A_288, %add3A_306 : i32
      %lt3A_308 = arith.constant 32 : i32
      %lt3A_309 = arith.cmpi slt, %add3A_307, %lt3A_308 : i32
      %convert_element_type3A_310 = arith.extui %lt3A_309 : i1 to i32
      %cond3A_311 = arith.constant 0 : i32
      %cond3A_312 = arith.cmpi ne, %convert_element_type3A_310, %cond3A_311 : i32
      scf.if %cond3A_312 {
        %dma_wait3A_341 = arith.constant 0 : i32
        %dma_wait3A_342 = arith.constant 0 : i32
        %dma_wait3A_343 = tpu.memref_slice %arg9[%dma_wait3A_341, %dma_wait3A_342] : memref<32x128xi32, #tpu.memory_space<vmem>> -> memref<1x128xi32, #tpu.memory_space<vmem>>
        %dma_wait3A_344 = tpu.memref_squeeze %dma_wait3A_343 : memref<1x128xi32, #tpu.memory_space<vmem>> -> memref<128xi32, #tpu.memory_space<vmem>>
        %dma_wait3A_345 = arith.constant 0 : i32
        %dma_wait3A_346 = arith.constant 0 : i32
        %dma_wait3A_347 = tpu.memref_slice %arg13[%dma_wait3A_345, %dma_wait3A_346] : memref<10008x128xf32, #tpu.memory_space<vmem_shared>> -> memref<10008x128xf32, #tpu.memory_space<vmem_shared>>
        tpu.wait_indirect_dma semaphore(%arg16 : memref<!tpu.dma_semaphore, #tpu.memory_space<semaphore_mem>>) src(%arg11 : memref<128x128xf32, #tpu.memory_space<vmem>>) dst(%dma_wait3A_347 : memref<10008x128xf32, #tpu.memory_space<vmem_shared>>)
        %add3A_348 = arith.constant 2 : i32
        %add3A_349 = arith.addi %add3A_288, %add3A_348 : i32
        %dma_start3A_350 = arith.constant 0 : i32
        %dma_start3A_351 = tpu.memref_slice %arg7[%add3A_349, %dma_start3A_350] : memref<32x128xi32, #tpu.memory_space<vmem>> -> memref<1x128xi32, #tpu.memory_space<vmem>>
        %dma_start3A_352 = tpu.memref_squeeze %dma_start3A_351 : memref<1x128xi32, #tpu.memory_space<vmem>> -> memref<128xi32, #tpu.memory_space<vmem>>
        %dma_start3A_353 = arith.constant 0 : i32
        %dma_start3A_354 = arith.constant 0 : i32
        %dma_start3A_355 = tpu.memref_slice %arg2[%arg0, %dma_start3A_353, %dma_start3A_354] : memref<2x10000x128xf32, #tpu.memory_space<hbm>> -> memref<1x10000x128xf32, #tpu.memory_space<hbm>>
        %dma_start3A_356 = tpu.memref_squeeze %dma_start3A_355 : memref<1x10000x128xf32, #tpu.memory_space<hbm>> -> memref<10000x128xf32, #tpu.memory_space<hbm>>
        %dma_start3A_357 = arith.constant 0 : i32
        %dma_start3A_358 = arith.constant 0 : i32
        %dma_start3A_359 = tpu.memref_slice %dma_start3A_356[%dma_start3A_357, %dma_start3A_358] : memref<10000x128xf32, #tpu.memory_space<hbm>> -> memref<10000x128xf32, #tpu.memory_space<hbm>>
        tpu.enqueue_indirect_dma source(%dma_start3A_359 : memref<10000x128xf32, #tpu.memory_space<hbm>>) target(%arg11 : memref<128x128xf32, #tpu.memory_space<vmem>>) offsets(%dma_start3A_352 : memref<128xi32, #tpu.memory_space<vmem>>) semaphore(%arg14 : memref<!tpu.dma_semaphore, #tpu.memory_space<semaphore_mem>>)
      } else {
      }
      %mul3A_313 = arith.constant 2 : i32
      %mul3A_314 = arith.muli %scan3A_284, %mul3A_313 : i32
      %add3A_315 = arith.constant 1 : i32
      %add3A_316 = arith.addi %mul3A_314, %add3A_315 : i32
      %dma_wait3A_317 = arith.constant 0 : i32
      %dma_wait3A_318 = arith.constant 0 : i32
      %dma_wait3A_319 = tpu.memref_slice %arg7[%dma_wait3A_317, %dma_wait3A_318] : memref<32x128xi32, #tpu.memory_space<vmem>> -> memref<1x128xi32, #tpu.memory_space<vmem>>
      %dma_wait3A_320 = tpu.memref_squeeze %dma_wait3A_319 : memref<1x128xi32, #tpu.memory_space<vmem>> -> memref<128xi32, #tpu.memory_space<vmem>>
      %dma_wait3A_321 = arith.constant 0 : i32
      %dma_wait3A_322 = arith.constant 0 : i32
      %dma_wait3A_323 = tpu.memref_slice %arg2[%arg0, %dma_wait3A_321, %dma_wait3A_322] : memref<2x10000x128xf32, #tpu.memory_space<hbm>> -> memref<1x10000x128xf32, #tpu.memory_space<hbm>>
      %dma_wait3A_324 = tpu.memref_squeeze %dma_wait3A_323 : memref<1x10000x128xf32, #tpu.memory_space<hbm>> -> memref<10000x128xf32, #tpu.memory_space<hbm>>
      %dma_wait3A_325 = arith.constant 0 : i32
      %dma_wait3A_326 = arith.constant 0 : i32
      %dma_wait3A_327 = tpu.memref_slice %dma_wait3A_324[%dma_wait3A_325, %dma_wait3A_326] : memref<10000x128xf32, #tpu.memory_space<hbm>> -> memref<10000x128xf32, #tpu.memory_space<hbm>>
      tpu.wait_indirect_dma semaphore(%arg15 : memref<!tpu.dma_semaphore, #tpu.memory_space<semaphore_mem>>) src(%dma_wait3A_327 : memref<10000x128xf32, #tpu.memory_space<hbm>>) dst(%arg12 : memref<128x128xf32, #tpu.memory_space<vmem>>)
      %dma_start3A_328 = arith.constant 0 : i32
      %dma_start3A_329 = tpu.memref_slice %arg9[%add3A_316, %dma_start3A_328] : memref<32x128xi32, #tpu.memory_space<vmem>> -> memref<1x128xi32, #tpu.memory_space<vmem>>
      %dma_start3A_330 = tpu.memref_squeeze %dma_start3A_329 : memref<1x128xi32, #tpu.memory_space<vmem>> -> memref<128xi32, #tpu.memory_space<vmem>>
      %dma_start3A_331 = arith.constant 0 : i32
      %dma_start3A_332 = arith.constant 0 : i32
      %dma_start3A_333 = tpu.memref_slice %arg13[%dma_start3A_331, %dma_start3A_332] : memref<10008x128xf32, #tpu.memory_space<vmem_shared>> -> memref<10008x128xf32, #tpu.memory_space<vmem_shared>>
      tpu.enqueue_indirect_dma source(%arg12 : memref<128x128xf32, #tpu.memory_space<vmem>>) target(%dma_start3A_333 : memref<10008x128xf32, #tpu.memory_space<vmem_shared>>) offsets(%dma_start3A_330 : memref<128xi32, #tpu.memory_space<vmem>>) semaphore(%arg17 : memref<!tpu.dma_semaphore, #tpu.memory_space<semaphore_mem>>) {add = true}
      %add3A_334 = arith.constant 2 : i32
      %add3A_335 = arith.addi %add3A_316, %add3A_334 : i32
      %lt3A_336 = arith.constant 32 : i32
      %lt3A_337 = arith.cmpi slt, %add3A_335, %lt3A_336 : i32
      %convert_element_type3A_338 = arith.extui %lt3A_337 : i1 to i32
      %cond3A_339 = arith.constant 0 : i32
      %cond3A_340 = arith.cmpi ne, %convert_element_type3A_338, %cond3A_339 : i32
      scf.if %cond3A_340 {
        %dma_wait3A_341 = arith.constant 0 : i32
        %dma_wait3A_342 = arith.constant 0 : i32
        %dma_wait3A_343 = tpu.memref_slice %arg9[%dma_wait3A_341, %dma_wait3A_342] : memref<32x128xi32, #tpu.memory_space<vmem>> -> memref<1x128xi32, #tpu.memory_space<vmem>>
        %dma_wait3A_344 = tpu.memref_squeeze %dma_wait3A_343 : memref<1x128xi32, #tpu.memory_space<vmem>> -> memref<128xi32, #tpu.memory_space<vmem>>
        %dma_wait3A_345 = arith.constant 0 : i32
        %dma_wait3A_346 = arith.constant 0 : i32
        %dma_wait3A_347 = tpu.memref_slice %arg13[%dma_wait3A_345, %dma_wait3A_346] : memref<10008x128xf32, #tpu.memory_space<vmem_shared>> -> memref<10008x128xf32, #tpu.memory_space<vmem_shared>>
        tpu.wait_indirect_dma semaphore(%arg17 : memref<!tpu.dma_semaphore, #tpu.memory_space<semaphore_mem>>) src(%arg12 : memref<128x128xf32, #tpu.memory_space<vmem>>) dst(%dma_wait3A_347 : memref<10008x128xf32, #tpu.memory_space<vmem_shared>>)
        %add3A_348 = arith.constant 2 : i32
        %add3A_349 = arith.addi %add3A_316, %add3A_348 : i32
        %dma_start3A_350 = arith.constant 0 : i32
        %dma_start3A_351 = tpu.memref_slice %arg7[%add3A_349, %dma_start3A_350] : memref<32x128xi32, #tpu.memory_space<vmem>> -> memref<1x128xi32, #tpu.memory_space<vmem>>
        %dma_start3A_352 = tpu.memref_squeeze %dma_start3A_351 : memref<1x128xi32, #tpu.memory_space<vmem>> -> memref<128xi32, #tpu.memory_space<vmem>>
        %dma_start3A_353 = arith.constant 0 : i32
        %dma_start3A_354 = arith.constant 0 : i32
        %dma_start3A_355 = tpu.memref_slice %arg2[%arg0, %dma_start3A_353, %dma_start3A_354] : memref<2x10000x128xf32, #tpu.memory_space<hbm>> -> memref<1x10000x128xf32, #tpu.memory_space<hbm>>
        %dma_start3A_356 = tpu.memref_squeeze %dma_start3A_355 : memref<1x10000x128xf32, #tpu.memory_space<hbm>> -> memref<10000x128xf32, #tpu.memory_space<hbm>>
        %dma_start3A_357 = arith.constant 0 : i32
        %dma_start3A_358 = arith.constant 0 : i32
        %dma_start3A_359 = tpu.memref_slice %dma_start3A_356[%dma_start3A_357, %dma_start3A_358] : memref<10000x128xf32, #tpu.memory_space<hbm>> -> memref<10000x128xf32, #tpu.memory_space<hbm>>
        tpu.enqueue_indirect_dma source(%dma_start3A_359 : memref<10000x128xf32, #tpu.memory_space<hbm>>) target(%arg12 : memref<128x128xf32, #tpu.memory_space<vmem>>) offsets(%dma_start3A_352 : memref<128xi32, #tpu.memory_space<vmem>>) semaphore(%arg15 : memref<!tpu.dma_semaphore, #tpu.memory_space<semaphore_mem>>)
      } else {
      }
    }
    %scan3A_102 = arith.constant 16 : i32
    %dma_wait3A_103 = arith.constant 0 : i32
    %dma_wait3A_104 = arith.constant 0 : i32
    %dma_wait3A_105 = tpu.memref_slice %arg9[%dma_wait3A_103, %dma_wait3A_104] : memref<32x128xi32, #tpu.memory_space<vmem>> -> memref<1x128xi32, #tpu.memory_space<vmem>>
    %dma_wait3A_106 = tpu.memref_squeeze %dma_wait3A_105 : memref<1x128xi32, #tpu.memory_space<vmem>> -> memref<128xi32, #tpu.memory_space<vmem>>
    %dma_wait3A_107 = arith.constant 0 : i32
    %dma_wait3A_108 = arith.constant 0 : i32
    %dma_wait3A_109 = tpu.memref_slice %arg13[%dma_wait3A_107, %dma_wait3A_108] : memref<10008x128xf32, #tpu.memory_space<vmem_shared>> -> memref<10008x128xf32, #tpu.memory_space<vmem_shared>>
    tpu.wait_indirect_dma semaphore(%arg16 : memref<!tpu.dma_semaphore, #tpu.memory_space<semaphore_mem>>) src(%arg11 : memref<128x128xf32, #tpu.memory_space<vmem>>) dst(%dma_wait3A_109 : memref<10008x128xf32, #tpu.memory_space<vmem_shared>>)
    %dma_wait3A_110 = arith.constant 0 : i32
    %dma_wait3A_111 = arith.constant 0 : i32
    %dma_wait3A_112 = tpu.memref_slice %arg9[%dma_wait3A_110, %dma_wait3A_111] : memref<32x128xi32, #tpu.memory_space<vmem>> -> memref<1x128xi32, #tpu.memory_space<vmem>>
    %dma_wait3A_113 = tpu.memref_squeeze %dma_wait3A_112 : memref<1x128xi32, #tpu.memory_space<vmem>> -> memref<128xi32, #tpu.memory_space<vmem>>
    %dma_wait3A_114 = arith.constant 0 : i32
    %dma_wait3A_115 = arith.constant 0 : i32
    %dma_wait3A_116 = tpu.memref_slice %arg13[%dma_wait3A_114, %dma_wait3A_115] : memref<10008x128xf32, #tpu.memory_space<vmem_shared>> -> memref<10008x128xf32, #tpu.memory_space<vmem_shared>>
    tpu.wait_indirect_dma semaphore(%arg17 : memref<!tpu.dma_semaphore, #tpu.memory_space<semaphore_mem>>) src(%arg12 : memref<128x128xf32, #tpu.memory_space<vmem>>) dst(%dma_wait3A_116 : memref<10008x128xf32, #tpu.memory_space<vmem_shared>>)
    %add3A_117 = arith.constant 32 : i32
    %add3A_118 = arith.addi %mul3A_0, %add3A_117 : i32
    %dma_wait3A_119 = arith.constant 0 : i32
    %dma_wait3A_120 = arith.constant 0 : i32
    %dma_wait3A_121 = tpu.memref_slice %arg8[%dma_wait3A_119, %dma_wait3A_120] : memref<32x128xi32, #tpu.memory_space<vmem>> -> memref<32x128xi32, #tpu.memory_space<vmem>>
    %dma_wait3A_122 = arith.constant 0 : i32
    %dma_wait3A_123 = tpu.memref_slice %arg3[%add3A_118, %dma_wait3A_122] : memref<1280x128xi32, #tpu.memory_space<hbm>> -> memref<32x128xi32, #tpu.memory_space<hbm>>
    %dma_wait3A_124 = arith.constant 0 : i32
    %dma_wait3A_125 = arith.constant 0 : i32
    %dma_wait3A_126 = tpu.memref_slice %arg8[%dma_wait3A_124, %dma_wait3A_125] : memref<32x128xi32, #tpu.memory_space<vmem>> -> memref<32x128xi32, #tpu.memory_space<vmem>>
    %dma_wait3A_127 = arith.constant 0 : i32
    %dma_wait3A_128 = tpu.memref_slice %arg3[%add3A_118, %dma_wait3A_127] : memref<1280x128xi32, #tpu.memory_space<hbm>> -> memref<32x128xi32, #tpu.memory_space<hbm>>
    tpu.wait_dma2 semaphore(%arg18 : memref<!tpu.dma_semaphore, #tpu.memory_space<semaphore_mem>>) src(%dma_wait3A_128 : memref<32x128xi32, #tpu.memory_space<hbm>>) dst(%dma_wait3A_126 : memref<32x128xi32, #tpu.memory_space<vmem>>)
    %add3A_129 = arith.constant 32 : i32
    %add3A_130 = arith.addi %mul3A_0, %add3A_129 : i32
    %dma_wait3A_131 = arith.constant 0 : i32
    %dma_wait3A_132 = arith.constant 0 : i32
    %dma_wait3A_133 = tpu.memref_slice %arg10[%dma_wait3A_131, %dma_wait3A_132] : memref<32x128xi32, #tpu.memory_space<vmem>> -> memref<32x128xi32, #tpu.memory_space<vmem>>
    %dma_wait3A_134 = arith.constant 0 : i32
    %dma_wait3A_135 = tpu.memref_slice %arg4[%add3A_130, %dma_wait3A_134] : memref<1280x128xi32, #tpu.memory_space<hbm>> -> memref<32x128xi32, #tpu.memory_space<hbm>>
    %dma_wait3A_136 = arith.constant 0 : i32
    %dma_wait3A_137 = arith.constant 0 : i32
    %dma_wait3A_138 = tpu.memref_slice %arg10[%dma_wait3A_136, %dma_wait3A_137] : memref<32x128xi32, #tpu.memory_space<vmem>> -> memref<32x128xi32, #tpu.memory_space<vmem>>
    %dma_wait3A_139 = arith.constant 0 : i32
    %dma_wait3A_140 = tpu.memref_slice %arg4[%add3A_130, %dma_wait3A_139] : memref<1280x128xi32, #tpu.memory_space<hbm>> -> memref<32x128xi32, #tpu.memory_space<hbm>>
    tpu.wait_dma2 semaphore(%arg18 : memref<!tpu.dma_semaphore, #tpu.memory_space<semaphore_mem>>) src(%dma_wait3A_140 : memref<32x128xi32, #tpu.memory_space<hbm>>) dst(%dma_wait3A_138 : memref<32x128xi32, #tpu.memory_space<vmem>>)
    %add3A_141 = arith.constant 64 : i32
    %add3A_142 = arith.addi %mul3A_0, %add3A_141 : i32
    %dma_start3A_143 = arith.constant 0 : i32
    %dma_start3A_144 = arith.constant 0 : i32
    %dma_start3A_145 = tpu.memref_slice %arg7[%dma_start3A_143, %dma_start3A_144] : memref<32x128xi32, #tpu.memory_space<vmem>> -> memref<16x128xi32, #tpu.memory_space<vmem>>
    %dma_start3A_146 = arith.constant 0 : i32
    %dma_start3A_147 = tpu.memref_slice %arg3[%add3A_142, %dma_start3A_146] : memref<1280x128xi32, #tpu.memory_space<hbm>> -> memref<16x128xi32, #tpu.memory_space<hbm>>
    %dma_start3A_148 = arith.constant 0 : i32
    %dma_start3A_149 = arith.constant 0 : i32
    %dma_start3A_150 = tpu.memref_slice %arg7[%dma_start3A_148, %dma_start3A_149] : memref<32x128xi32, #tpu.memory_space<vmem>> -> memref<16x128xi32, #tpu.memory_space<vmem>>
    %dma_start3A_151 = arith.constant 0 : i32
    %dma_start3A_152 = tpu.memref_slice %arg3[%add3A_142, %dma_start3A_151] : memref<1280x128xi32, #tpu.memory_space<hbm>> -> memref<16x128xi32, #tpu.memory_space<hbm>>
    tpu.enqueue_dma source(%dma_start3A_152 : memref<16x128xi32, #tpu.memory_space<hbm>>) target(%dma_start3A_150 : memref<16x128xi32, #tpu.memory_space<vmem>>) target_semaphore(%arg18 : memref<!tpu.dma_semaphore, #tpu.memory_space<semaphore_mem>>)
    %add3A_153 = arith.constant 64 : i32
    %add3A_154 = arith.addi %mul3A_0, %add3A_153 : i32
    %dma_start3A_155 = arith.constant 0 : i32
    %dma_start3A_156 = arith.constant 0 : i32
    %dma_start3A_157 = tpu.memref_slice %arg9[%dma_start3A_155, %dma_start3A_156] : memref<32x128xi32, #tpu.memory_space<vmem>> -> memref<16x128xi32, #tpu.memory_space<vmem>>
    %dma_start3A_158 = arith.constant 0 : i32
    %dma_start3A_159 = tpu.memref_slice %arg4[%add3A_154, %dma_start3A_158] : memref<1280x128xi32, #tpu.memory_space<hbm>> -> memref<16x128xi32, #tpu.memory_space<hbm>>
    %dma_start3A_160 = arith.constant 0 : i32
    %dma_start3A_161 = arith.constant 0 : i32
    %dma_start3A_162 = tpu.memref_slice %arg9[%dma_start3A_160, %dma_start3A_161] : memref<32x128xi32, #tpu.memory_space<vmem>> -> memref<16x128xi32, #tpu.memory_space<vmem>>
    %dma_start3A_163 = arith.constant 0 : i32
    %dma_start3A_164 = tpu.memref_slice %arg4[%add3A_154, %dma_start3A_163] : memref<1280x128xi32, #tpu.memory_space<hbm>> -> memref<16x128xi32, #tpu.memory_space<hbm>>
    tpu.enqueue_dma source(%dma_start3A_164 : memref<16x128xi32, #tpu.memory_space<hbm>>) target(%dma_start3A_162 : memref<16x128xi32, #tpu.memory_space<vmem>>) target_semaphore(%arg18 : memref<!tpu.dma_semaphore, #tpu.memory_space<semaphore_mem>>)
    %dma_start3A_165 = arith.constant 0 : i32
    %dma_start3A_166 = arith.constant 0 : i32
    %dma_start3A_167 = tpu.memref_slice %arg8[%dma_start3A_165, %dma_start3A_166] : memref<32x128xi32, #tpu.memory_space<vmem>> -> memref<1x128xi32, #tpu.memory_space<vmem>>
    %dma_start3A_168 = tpu.memref_squeeze %dma_start3A_167 : memref<1x128xi32, #tpu.memory_space<vmem>> -> memref<128xi32, #tpu.memory_space<vmem>>
    %dma_start3A_169 = arith.constant 0 : i32
    %dma_start3A_170 = arith.constant 0 : i32
    %dma_start3A_171 = tpu.memref_slice %arg2[%arg0, %dma_start3A_169, %dma_start3A_170] : memref<2x10000x128xf32, #tpu.memory_space<hbm>> -> memref<1x10000x128xf32, #tpu.memory_space<hbm>>
    %dma_start3A_172 = tpu.memref_squeeze %dma_start3A_171 : memref<1x10000x128xf32, #tpu.memory_space<hbm>> -> memref<10000x128xf32, #tpu.memory_space<hbm>>
    %dma_start3A_173 = arith.constant 0 : i32
    %dma_start3A_174 = arith.constant 0 : i32
    %dma_start3A_175 = tpu.memref_slice %dma_start3A_172[%dma_start3A_173, %dma_start3A_174] : memref<10000x128xf32, #tpu.memory_space<hbm>> -> memref<10000x128xf32, #tpu.memory_space<hbm>>
    tpu.enqueue_indirect_dma source(%dma_start3A_175 : memref<10000x128xf32, #tpu.memory_space<hbm>>) target(%arg11 : memref<128x128xf32, #tpu.memory_space<vmem>>) offsets(%dma_start3A_168 : memref<128xi32, #tpu.memory_space<vmem>>) semaphore(%arg14 : memref<!tpu.dma_semaphore, #tpu.memory_space<semaphore_mem>>)
    %dma_start3A_176 = arith.constant 1 : i32
    %dma_start3A_177 = arith.constant 0 : i32
    %dma_start3A_178 = tpu.memref_slice %arg8[%dma_start3A_176, %dma_start3A_177] : memref<32x128xi32, #tpu.memory_space<vmem>> -> memref<1x128xi32, #tpu.memory_space<vmem>>
    %dma_start3A_179 = tpu.memref_squeeze %dma_start3A_178 : memref<1x128xi32, #tpu.memory_space<vmem>> -> memref<128xi32, #tpu.memory_space<vmem>>
    %dma_start3A_180 = arith.constant 0 : i32
    %dma_start3A_181 = arith.constant 0 : i32
    %dma_start3A_182 = tpu.memref_slice %arg2[%arg0, %dma_start3A_180, %dma_start3A_181] : memref<2x10000x128xf32, #tpu.memory_space<hbm>> -> memref<1x10000x128xf32, #tpu.memory_space<hbm>>
    %dma_start3A_183 = tpu.memref_squeeze %dma_start3A_182 : memref<1x10000x128xf32, #tpu.memory_space<hbm>> -> memref<10000x128xf32, #tpu.memory_space<hbm>>
    %dma_start3A_184 = arith.constant 0 : i32
    %dma_start3A_185 = arith.constant 0 : i32
    %dma_start3A_186 = tpu.memref_slice %dma_start3A_183[%dma_start3A_184, %dma_start3A_185] : memref<10000x128xf32, #tpu.memory_space<hbm>> -> memref<10000x128xf32, #tpu.memory_space<hbm>>
    tpu.enqueue_indirect_dma source(%dma_start3A_186 : memref<10000x128xf32, #tpu.memory_space<hbm>>) target(%arg12 : memref<128x128xf32, #tpu.memory_space<vmem>>) offsets(%dma_start3A_179 : memref<128xi32, #tpu.memory_space<vmem>>) semaphore(%arg15 : memref<!tpu.dma_semaphore, #tpu.memory_space<semaphore_mem>>)
    %scan3A_187 = arith.constant 0 : i32
    %scan3A_188 = arith.constant 0 : i32
    %scan3A_189 = arith.constant 16 : i32
    %scan3A_190 = arith.addi %scan3A_188, %scan3A_189 : i32
    %scan3A_191 = arith.constant 1 : i32
    scf.for %scan3A_284 = %scan3A_188 to %scan3A_190 step %scan3A_191  : i32 {
      %mul3A_285 = arith.constant 2 : i32
      %mul3A_286 = arith.muli %scan3A_284, %mul3A_285 : i32
      %add3A_287 = arith.constant 0 : i32
      %add3A_288 = arith.addi %mul3A_286, %add3A_287 : i32
      %dma_wait3A_289 = arith.constant 0 : i32
      %dma_wait3A_290 = arith.constant 0 : i32
      %dma_wait3A_291 = tpu.memref_slice %arg8[%dma_wait3A_289, %dma_wait3A_290] : memref<32x128xi32, #tpu.memory_space<vmem>> -> memref<1x128xi32, #tpu.memory_space<vmem>>
      %dma_wait3A_292 = tpu.memref_squeeze %dma_wait3A_291 : memref<1x128xi32, #tpu.memory_space<vmem>> -> memref<128xi32, #tpu.memory_space<vmem>>
      %dma_wait3A_293 = arith.constant 0 : i32
      %dma_wait3A_294 = arith.constant 0 : i32
      %dma_wait3A_295 = tpu.memref_slice %arg2[%arg0, %dma_wait3A_293, %dma_wait3A_294] : memref<2x10000x128xf32, #tpu.memory_space<hbm>> -> memref<1x10000x128xf32, #tpu.memory_space<hbm>>
      %dma_wait3A_296 = tpu.memref_squeeze %dma_wait3A_295 : memref<1x10000x128xf32, #tpu.memory_space<hbm>> -> memref<10000x128xf32, #tpu.memory_space<hbm>>
      %dma_wait3A_297 = arith.constant 0 : i32
      %dma_wait3A_298 = arith.constant 0 : i32
      %dma_wait3A_299 = tpu.memref_slice %dma_wait3A_296[%dma_wait3A_297, %dma_wait3A_298] : memref<10000x128xf32, #tpu.memory_space<hbm>> -> memref<10000x128xf32, #tpu.memory_space<hbm>>
      tpu.wait_indirect_dma semaphore(%arg14 : memref<!tpu.dma_semaphore, #tpu.memory_space<semaphore_mem>>) src(%dma_wait3A_299 : memref<10000x128xf32, #tpu.memory_space<hbm>>) dst(%arg11 : memref<128x128xf32, #tpu.memory_space<vmem>>)
      %dma_start3A_300 = arith.constant 0 : i32
      %dma_start3A_301 = tpu.memref_slice %arg10[%add3A_288, %dma_start3A_300] : memref<32x128xi32, #tpu.memory_space<vmem>> -> memref<1x128xi32, #tpu.memory_space<vmem>>
      %dma_start3A_302 = tpu.memref_squeeze %dma_start3A_301 : memref<1x128xi32, #tpu.memory_space<vmem>> -> memref<128xi32, #tpu.memory_space<vmem>>
      %dma_start3A_303 = arith.constant 0 : i32
      %dma_start3A_304 = arith.constant 0 : i32
      %dma_start3A_305 = tpu.memref_slice %arg13[%dma_start3A_303, %dma_start3A_304] : memref<10008x128xf32, #tpu.memory_space<vmem_shared>> -> memref<10008x128xf32, #tpu.memory_space<vmem_shared>>
      tpu.enqueue_indirect_dma source(%arg11 : memref<128x128xf32, #tpu.memory_space<vmem>>) target(%dma_start3A_305 : memref<10008x128xf32, #tpu.memory_space<vmem_shared>>) offsets(%dma_start3A_302 : memref<128xi32, #tpu.memory_space<vmem>>) semaphore(%arg16 : memref<!tpu.dma_semaphore, #tpu.memory_space<semaphore_mem>>) {add = true}
      %add3A_306 = arith.constant 2 : i32
      %add3A_307 = arith.addi %add3A_288, %add3A_306 : i32
      %lt3A_308 = arith.constant 32 : i32
      %lt3A_309 = arith.cmpi slt, %add3A_307, %lt3A_308 : i32
      %convert_element_type3A_310 = arith.extui %lt3A_309 : i1 to i32
      %cond3A_311 = arith.constant 0 : i32
      %cond3A_312 = arith.cmpi ne, %convert_element_type3A_310, %cond3A_311 : i32
      scf.if %cond3A_312 {
        %dma_wait3A_341 = arith.constant 0 : i32
        %dma_wait3A_342 = arith.constant 0 : i32
        %dma_wait3A_343 = tpu.memref_slice %arg10[%dma_wait3A_341, %dma_wait3A_342] : memref<32x128xi32, #tpu.memory_space<vmem>> -> memref<1x128xi32, #tpu.memory_space<vmem>>
        %dma_wait3A_344 = tpu.memref_squeeze %dma_wait3A_343 : memref<1x128xi32, #tpu.memory_space<vmem>> -> memref<128xi32, #tpu.memory_space<vmem>>
        %dma_wait3A_345 = arith.constant 0 : i32
        %dma_wait3A_346 = arith.constant 0 : i32
        %dma_wait3A_347 = tpu.memref_slice %arg13[%dma_wait3A_345, %dma_wait3A_346] : memref<10008x128xf32, #tpu.memory_space<vmem_shared>> -> memref<10008x128xf32, #tpu.memory_space<vmem_shared>>
        tpu.wait_indirect_dma semaphore(%arg16 : memref<!tpu.dma_semaphore, #tpu.memory_space<semaphore_mem>>) src(%arg11 : memref<128x128xf32, #tpu.memory_space<vmem>>) dst(%dma_wait3A_347 : memref<10008x128xf32, #tpu.memory_space<vmem_shared>>)
        %add3A_348 = arith.constant 2 : i32
        %add3A_349 = arith.addi %add3A_288, %add3A_348 : i32
        %dma_start3A_350 = arith.constant 0 : i32
        %dma_start3A_351 = tpu.memref_slice %arg8[%add3A_349, %dma_start3A_350] : memref<32x128xi32, #tpu.memory_space<vmem>> -> memref<1x128xi32, #tpu.memory_space<vmem>>
        %dma_start3A_352 = tpu.memref_squeeze %dma_start3A_351 : memref<1x128xi32, #tpu.memory_space<vmem>> -> memref<128xi32, #tpu.memory_space<vmem>>
        %dma_start3A_353 = arith.constant 0 : i32
        %dma_start3A_354 = arith.constant 0 : i32
        %dma_start3A_355 = tpu.memref_slice %arg2[%arg0, %dma_start3A_353, %dma_start3A_354] : memref<2x10000x128xf32, #tpu.memory_space<hbm>> -> memref<1x10000x128xf32, #tpu.memory_space<hbm>>
        %dma_start3A_356 = tpu.memref_squeeze %dma_start3A_355 : memref<1x10000x128xf32, #tpu.memory_space<hbm>> -> memref<10000x128xf32, #tpu.memory_space<hbm>>
        %dma_start3A_357 = arith.constant 0 : i32
        %dma_start3A_358 = arith.constant 0 : i32
        %dma_start3A_359 = tpu.memref_slice %dma_start3A_356[%dma_start3A_357, %dma_start3A_358] : memref<10000x128xf32, #tpu.memory_space<hbm>> -> memref<10000x128xf32, #tpu.memory_space<hbm>>
        tpu.enqueue_indirect_dma source(%dma_start3A_359 : memref<10000x128xf32, #tpu.memory_space<hbm>>) target(%arg11 : memref<128x128xf32, #tpu.memory_space<vmem>>) offsets(%dma_start3A_352 : memref<128xi32, #tpu.memory_space<vmem>>) semaphore(%arg14 : memref<!tpu.dma_semaphore, #tpu.memory_space<semaphore_mem>>)
      } else {
      }
      %mul3A_313 = arith.constant 2 : i32
      %mul3A_314 = arith.muli %scan3A_284, %mul3A_313 : i32
      %add3A_315 = arith.constant 1 : i32
      %add3A_316 = arith.addi %mul3A_314, %add3A_315 : i32
      %dma_wait3A_317 = arith.constant 0 : i32
      %dma_wait3A_318 = arith.constant 0 : i32
      %dma_wait3A_319 = tpu.memref_slice %arg8[%dma_wait3A_317, %dma_wait3A_318] : memref<32x128xi32, #tpu.memory_space<vmem>> -> memref<1x128xi32, #tpu.memory_space<vmem>>
      %dma_wait3A_320 = tpu.memref_squeeze %dma_wait3A_319 : memref<1x128xi32, #tpu.memory_space<vmem>> -> memref<128xi32, #tpu.memory_space<vmem>>
      %dma_wait3A_321 = arith.constant 0 : i32
      %dma_wait3A_322 = arith.constant 0 : i32
      %dma_wait3A_323 = tpu.memref_slice %arg2[%arg0, %dma_wait3A_321, %dma_wait3A_322] : memref<2x10000x128xf32, #tpu.memory_space<hbm>> -> memref<1x10000x128xf32, #tpu.memory_space<hbm>>
      %dma_wait3A_324 = tpu.memref_squeeze %dma_wait3A_323 : memref<1x10000x128xf32, #tpu.memory_space<hbm>> -> memref<10000x128xf32, #tpu.memory_space<hbm>>
      %dma_wait3A_325 = arith.constant 0 : i32
      %dma_wait3A_326 = arith.constant 0 : i32
      %dma_wait3A_327 = tpu.memref_slice %dma_wait3A_324[%dma_wait3A_325, %dma_wait3A_326] : memref<10000x128xf32, #tpu.memory_space<hbm>> -> memref<10000x128xf32, #tpu.memory_space<hbm>>
      tpu.wait_indirect_dma semaphore(%arg15 : memref<!tpu.dma_semaphore, #tpu.memory_space<semaphore_mem>>) src(%dma_wait3A_327 : memref<10000x128xf32, #tpu.memory_space<hbm>>) dst(%arg12 : memref<128x128xf32, #tpu.memory_space<vmem>>)
      %dma_start3A_328 = arith.constant 0 : i32
      %dma_start3A_329 = tpu.memref_slice %arg10[%add3A_316, %dma_start3A_328] : memref<32x128xi32, #tpu.memory_space<vmem>> -> memref<1x128xi32, #tpu.memory_space<vmem>>
      %dma_start3A_330 = tpu.memref_squeeze %dma_start3A_329 : memref<1x128xi32, #tpu.memory_space<vmem>> -> memref<128xi32, #tpu.memory_space<vmem>>
      %dma_start3A_331 = arith.constant 0 : i32
      %dma_start3A_332 = arith.constant 0 : i32
      %dma_start3A_333 = tpu.memref_slice %arg13[%dma_start3A_331, %dma_start3A_332] : memref<10008x128xf32, #tpu.memory_space<vmem_shared>> -> memref<10008x128xf32, #tpu.memory_space<vmem_shared>>
      tpu.enqueue_indirect_dma source(%arg12 : memref<128x128xf32, #tpu.memory_space<vmem>>) target(%dma_start3A_333 : memref<10008x128xf32, #tpu.memory_space<vmem_shared>>) offsets(%dma_start3A_330 : memref<128xi32, #tpu.memory_space<vmem>>) semaphore(%arg17 : memref<!tpu.dma_semaphore, #tpu.memory_space<semaphore_mem>>) {add = true}
      %add3A_334 = arith.constant 2 : i32
      %add3A_335 = arith.addi %add3A_316, %add3A_334 : i32
      %lt3A_336 = arith.constant 32 : i32
      %lt3A_337 = arith.cmpi slt, %add3A_335, %lt3A_336 : i32
      %convert_element_type3A_338 = arith.extui %lt3A_337 : i1 to i32
      %cond3A_339 = arith.constant 0 : i32
      %cond3A_340 = arith.cmpi ne, %convert_element_type3A_338, %cond3A_339 : i32
      scf.if %cond3A_340 {
        %dma_wait3A_341 = arith.constant 0 : i32
        %dma_wait3A_342 = arith.constant 0 : i32
        %dma_wait3A_343 = tpu.memref_slice %arg10[%dma_wait3A_341, %dma_wait3A_342] : memref<32x128xi32, #tpu.memory_space<vmem>> -> memref<1x128xi32, #tpu.memory_space<vmem>>
        %dma_wait3A_344 = tpu.memref_squeeze %dma_wait3A_343 : memref<1x128xi32, #tpu.memory_space<vmem>> -> memref<128xi32, #tpu.memory_space<vmem>>
        %dma_wait3A_345 = arith.constant 0 : i32
        %dma_wait3A_346 = arith.constant 0 : i32
        %dma_wait3A_347 = tpu.memref_slice %arg13[%dma_wait3A_345, %dma_wait3A_346] : memref<10008x128xf32, #tpu.memory_space<vmem_shared>> -> memref<10008x128xf32, #tpu.memory_space<vmem_shared>>
        tpu.wait_indirect_dma semaphore(%arg17 : memref<!tpu.dma_semaphore, #tpu.memory_space<semaphore_mem>>) src(%arg12 : memref<128x128xf32, #tpu.memory_space<vmem>>) dst(%dma_wait3A_347 : memref<10008x128xf32, #tpu.memory_space<vmem_shared>>)
        %add3A_348 = arith.constant 2 : i32
        %add3A_349 = arith.addi %add3A_316, %add3A_348 : i32
        %dma_start3A_350 = arith.constant 0 : i32
        %dma_start3A_351 = tpu.memref_slice %arg8[%add3A_349, %dma_start3A_350] : memref<32x128xi32, #tpu.memory_space<vmem>> -> memref<1x128xi32, #tpu.memory_space<vmem>>
        %dma_start3A_352 = tpu.memref_squeeze %dma_start3A_351 : memref<1x128xi32, #tpu.memory_space<vmem>> -> memref<128xi32, #tpu.memory_space<vmem>>
        %dma_start3A_353 = arith.constant 0 : i32
        %dma_start3A_354 = arith.constant 0 : i32
        %dma_start3A_355 = tpu.memref_slice %arg2[%arg0, %dma_start3A_353, %dma_start3A_354] : memref<2x10000x128xf32, #tpu.memory_space<hbm>> -> memref<1x10000x128xf32, #tpu.memory_space<hbm>>
        %dma_start3A_356 = tpu.memref_squeeze %dma_start3A_355 : memref<1x10000x128xf32, #tpu.memory_space<hbm>> -> memref<10000x128xf32, #tpu.memory_space<hbm>>
        %dma_start3A_357 = arith.constant 0 : i32
        %dma_start3A_358 = arith.constant 0 : i32
        %dma_start3A_359 = tpu.memref_slice %dma_start3A_356[%dma_start3A_357, %dma_start3A_358] : memref<10000x128xf32, #tpu.memory_space<hbm>> -> memref<10000x128xf32, #tpu.memory_space<hbm>>
        tpu.enqueue_indirect_dma source(%dma_start3A_359 : memref<10000x128xf32, #tpu.memory_space<hbm>>) target(%arg12 : memref<128x128xf32, #tpu.memory_space<vmem>>) offsets(%dma_start3A_352 : memref<128xi32, #tpu.memory_space<vmem>>) semaphore(%arg15 : memref<!tpu.dma_semaphore, #tpu.memory_space<semaphore_mem>>)
      } else {
      }
    }
    %scan3A_192 = arith.constant 16 : i32
    %dma_wait3A_193 = arith.constant 0 : i32
    %dma_wait3A_194 = arith.constant 0 : i32
    %dma_wait3A_195 = tpu.memref_slice %arg10[%dma_wait3A_193, %dma_wait3A_194] : memref<32x128xi32, #tpu.memory_space<vmem>> -> memref<1x128xi32, #tpu.memory_space<vmem>>
    %dma_wait3A_196 = tpu.memref_squeeze %dma_wait3A_195 : memref<1x128xi32, #tpu.memory_space<vmem>> -> memref<128xi32, #tpu.memory_space<vmem>>
    %dma_wait3A_197 = arith.constant 0 : i32
    %dma_wait3A_198 = arith.constant 0 : i32
    %dma_wait3A_199 = tpu.memref_slice %arg13[%dma_wait3A_197, %dma_wait3A_198] : memref<10008x128xf32, #tpu.memory_space<vmem_shared>> -> memref<10008x128xf32, #tpu.memory_space<vmem_shared>>
    tpu.wait_indirect_dma semaphore(%arg16 : memref<!tpu.dma_semaphore, #tpu.memory_space<semaphore_mem>>) src(%arg11 : memref<128x128xf32, #tpu.memory_space<vmem>>) dst(%dma_wait3A_199 : memref<10008x128xf32, #tpu.memory_space<vmem_shared>>)
    %dma_wait3A_200 = arith.constant 0 : i32
    %dma_wait3A_201 = arith.constant 0 : i32
    %dma_wait3A_202 = tpu.memref_slice %arg10[%dma_wait3A_200, %dma_wait3A_201] : memref<32x128xi32, #tpu.memory_space<vmem>> -> memref<1x128xi32, #tpu.memory_space<vmem>>
    %dma_wait3A_203 = tpu.memref_squeeze %dma_wait3A_202 : memref<1x128xi32, #tpu.memory_space<vmem>> -> memref<128xi32, #tpu.memory_space<vmem>>
    %dma_wait3A_204 = arith.constant 0 : i32
    %dma_wait3A_205 = arith.constant 0 : i32
    %dma_wait3A_206 = tpu.memref_slice %arg13[%dma_wait3A_204, %dma_wait3A_205] : memref<10008x128xf32, #tpu.memory_space<vmem_shared>> -> memref<10008x128xf32, #tpu.memory_space<vmem_shared>>
    tpu.wait_indirect_dma semaphore(%arg17 : memref<!tpu.dma_semaphore, #tpu.memory_space<semaphore_mem>>) src(%arg12 : memref<128x128xf32, #tpu.memory_space<vmem>>) dst(%dma_wait3A_206 : memref<10008x128xf32, #tpu.memory_space<vmem_shared>>)
    %add3A_207 = arith.constant 64 : i32
    %add3A_208 = arith.addi %mul3A_0, %add3A_207 : i32
    %dma_wait3A_209 = arith.constant 0 : i32
    %dma_wait3A_210 = arith.constant 0 : i32
    %dma_wait3A_211 = tpu.memref_slice %arg7[%dma_wait3A_209, %dma_wait3A_210] : memref<32x128xi32, #tpu.memory_space<vmem>> -> memref<16x128xi32, #tpu.memory_space<vmem>>
    %dma_wait3A_212 = arith.constant 0 : i32
    %dma_wait3A_213 = tpu.memref_slice %arg3[%add3A_208, %dma_wait3A_212] : memref<1280x128xi32, #tpu.memory_space<hbm>> -> memref<16x128xi32, #tpu.memory_space<hbm>>
    %dma_wait3A_214 = arith.constant 0 : i32
    %dma_wait3A_215 = arith.constant 0 : i32
    %dma_wait3A_216 = tpu.memref_slice %arg7[%dma_wait3A_214, %dma_wait3A_215] : memref<32x128xi32, #tpu.memory_space<vmem>> -> memref<16x128xi32, #tpu.memory_space<vmem>>
    %dma_wait3A_217 = arith.constant 0 : i32
    %dma_wait3A_218 = tpu.memref_slice %arg3[%add3A_208, %dma_wait3A_217] : memref<1280x128xi32, #tpu.memory_space<hbm>> -> memref<16x128xi32, #tpu.memory_space<hbm>>
    tpu.wait_dma2 semaphore(%arg18 : memref<!tpu.dma_semaphore, #tpu.memory_space<semaphore_mem>>) src(%dma_wait3A_218 : memref<16x128xi32, #tpu.memory_space<hbm>>) dst(%dma_wait3A_216 : memref<16x128xi32, #tpu.memory_space<vmem>>)
    %add3A_219 = arith.constant 64 : i32
    %add3A_220 = arith.addi %mul3A_0, %add3A_219 : i32
    %dma_wait3A_221 = arith.constant 0 : i32
    %dma_wait3A_222 = arith.constant 0 : i32
    %dma_wait3A_223 = tpu.memref_slice %arg9[%dma_wait3A_221, %dma_wait3A_222] : memref<32x128xi32, #tpu.memory_space<vmem>> -> memref<16x128xi32, #tpu.memory_space<vmem>>
    %dma_wait3A_224 = arith.constant 0 : i32
    %dma_wait3A_225 = tpu.memref_slice %arg4[%add3A_220, %dma_wait3A_224] : memref<1280x128xi32, #tpu.memory_space<hbm>> -> memref<16x128xi32, #tpu.memory_space<hbm>>
    %dma_wait3A_226 = arith.constant 0 : i32
    %dma_wait3A_227 = arith.constant 0 : i32
    %dma_wait3A_228 = tpu.memref_slice %arg9[%dma_wait3A_226, %dma_wait3A_227] : memref<32x128xi32, #tpu.memory_space<vmem>> -> memref<16x128xi32, #tpu.memory_space<vmem>>
    %dma_wait3A_229 = arith.constant 0 : i32
    %dma_wait3A_230 = tpu.memref_slice %arg4[%add3A_220, %dma_wait3A_229] : memref<1280x128xi32, #tpu.memory_space<hbm>> -> memref<16x128xi32, #tpu.memory_space<hbm>>
    tpu.wait_dma2 semaphore(%arg18 : memref<!tpu.dma_semaphore, #tpu.memory_space<semaphore_mem>>) src(%dma_wait3A_230 : memref<16x128xi32, #tpu.memory_space<hbm>>) dst(%dma_wait3A_228 : memref<16x128xi32, #tpu.memory_space<vmem>>)
    %dma_start3A_231 = arith.constant 0 : i32
    %dma_start3A_232 = arith.constant 0 : i32
    %dma_start3A_233 = tpu.memref_slice %arg7[%dma_start3A_231, %dma_start3A_232] : memref<32x128xi32, #tpu.memory_space<vmem>> -> memref<1x128xi32, #tpu.memory_space<vmem>>
    %dma_start3A_234 = tpu.memref_squeeze %dma_start3A_233 : memref<1x128xi32, #tpu.memory_space<vmem>> -> memref<128xi32, #tpu.memory_space<vmem>>
    %dma_start3A_235 = arith.constant 0 : i32
    %dma_start3A_236 = arith.constant 0 : i32
    %dma_start3A_237 = tpu.memref_slice %arg2[%arg0, %dma_start3A_235, %dma_start3A_236] : memref<2x10000x128xf32, #tpu.memory_space<hbm>> -> memref<1x10000x128xf32, #tpu.memory_space<hbm>>
    %dma_start3A_238 = tpu.memref_squeeze %dma_start3A_237 : memref<1x10000x128xf32, #tpu.memory_space<hbm>> -> memref<10000x128xf32, #tpu.memory_space<hbm>>
    %dma_start3A_239 = arith.constant 0 : i32
    %dma_start3A_240 = arith.constant 0 : i32
    %dma_start3A_241 = tpu.memref_slice %dma_start3A_238[%dma_start3A_239, %dma_start3A_240] : memref<10000x128xf32, #tpu.memory_space<hbm>> -> memref<10000x128xf32, #tpu.memory_space<hbm>>
    tpu.enqueue_indirect_dma source(%dma_start3A_241 : memref<10000x128xf32, #tpu.memory_space<hbm>>) target(%arg11 : memref<128x128xf32, #tpu.memory_space<vmem>>) offsets(%dma_start3A_234 : memref<128xi32, #tpu.memory_space<vmem>>) semaphore(%arg14 : memref<!tpu.dma_semaphore, #tpu.memory_space<semaphore_mem>>)
    %dma_start3A_242 = arith.constant 1 : i32
    %dma_start3A_243 = arith.constant 0 : i32
    %dma_start3A_244 = tpu.memref_slice %arg7[%dma_start3A_242, %dma_start3A_243] : memref<32x128xi32, #tpu.memory_space<vmem>> -> memref<1x128xi32, #tpu.memory_space<vmem>>
    %dma_start3A_245 = tpu.memref_squeeze %dma_start3A_244 : memref<1x128xi32, #tpu.memory_space<vmem>> -> memref<128xi32, #tpu.memory_space<vmem>>
    %dma_start3A_246 = arith.constant 0 : i32
    %dma_start3A_247 = arith.constant 0 : i32
    %dma_start3A_248 = tpu.memref_slice %arg2[%arg0, %dma_start3A_246, %dma_start3A_247] : memref<2x10000x128xf32, #tpu.memory_space<hbm>> -> memref<1x10000x128xf32, #tpu.memory_space<hbm>>
    %dma_start3A_249 = tpu.memref_squeeze %dma_start3A_248 : memref<1x10000x128xf32, #tpu.memory_space<hbm>> -> memref<10000x128xf32, #tpu.memory_space<hbm>>
    %dma_start3A_250 = arith.constant 0 : i32
    %dma_start3A_251 = arith.constant 0 : i32
    %dma_start3A_252 = tpu.memref_slice %dma_start3A_249[%dma_start3A_250, %dma_start3A_251] : memref<10000x128xf32, #tpu.memory_space<hbm>> -> memref<10000x128xf32, #tpu.memory_space<hbm>>
    tpu.enqueue_indirect_dma source(%dma_start3A_252 : memref<10000x128xf32, #tpu.memory_space<hbm>>) target(%arg12 : memref<128x128xf32, #tpu.memory_space<vmem>>) offsets(%dma_start3A_245 : memref<128xi32, #tpu.memory_space<vmem>>) semaphore(%arg15 : memref<!tpu.dma_semaphore, #tpu.memory_space<semaphore_mem>>)
    %scan3A_253 = arith.constant 0 : i32
    %scan3A_254 = arith.constant 0 : i32
    %scan3A_255 = arith.constant 8 : i32
    %scan3A_256 = arith.addi %scan3A_254, %scan3A_255 : i32
    %scan3A_257 = arith.constant 1 : i32
    scf.for %scan3A_284 = %scan3A_254 to %scan3A_256 step %scan3A_257  : i32 {
      %mul3A_285 = arith.constant 2 : i32
      %mul3A_286 = arith.muli %scan3A_284, %mul3A_285 : i32
      %add3A_287 = arith.constant 0 : i32
      %add3A_288 = arith.addi %mul3A_286, %add3A_287 : i32
      %dma_wait3A_289 = arith.constant 0 : i32
      %dma_wait3A_290 = arith.constant 0 : i32
      %dma_wait3A_291 = tpu.memref_slice %arg7[%dma_wait3A_289, %dma_wait3A_290] : memref<32x128xi32, #tpu.memory_space<vmem>> -> memref<1x128xi32, #tpu.memory_space<vmem>>
      %dma_wait3A_292 = tpu.memref_squeeze %dma_wait3A_291 : memref<1x128xi32, #tpu.memory_space<vmem>> -> memref<128xi32, #tpu.memory_space<vmem>>
      %dma_wait3A_293 = arith.constant 0 : i32
      %dma_wait3A_294 = arith.constant 0 : i32
      %dma_wait3A_295 = tpu.memref_slice %arg2[%arg0, %dma_wait3A_293, %dma_wait3A_294] : memref<2x10000x128xf32, #tpu.memory_space<hbm>> -> memref<1x10000x128xf32, #tpu.memory_space<hbm>>
      %dma_wait3A_296 = tpu.memref_squeeze %dma_wait3A_295 : memref<1x10000x128xf32, #tpu.memory_space<hbm>> -> memref<10000x128xf32, #tpu.memory_space<hbm>>
      %dma_wait3A_297 = arith.constant 0 : i32
      %dma_wait3A_298 = arith.constant 0 : i32
      %dma_wait3A_299 = tpu.memref_slice %dma_wait3A_296[%dma_wait3A_297, %dma_wait3A_298] : memref<10000x128xf32, #tpu.memory_space<hbm>> -> memref<10000x128xf32, #tpu.memory_space<hbm>>
      tpu.wait_indirect_dma semaphore(%arg14 : memref<!tpu.dma_semaphore, #tpu.memory_space<semaphore_mem>>) src(%dma_wait3A_299 : memref<10000x128xf32, #tpu.memory_space<hbm>>) dst(%arg11 : memref<128x128xf32, #tpu.memory_space<vmem>>)
      %dma_start3A_300 = arith.constant 0 : i32
      %dma_start3A_301 = tpu.memref_slice %arg9[%add3A_288, %dma_start3A_300] : memref<32x128xi32, #tpu.memory_space<vmem>> -> memref<1x128xi32, #tpu.memory_space<vmem>>
      %dma_start3A_302 = tpu.memref_squeeze %dma_start3A_301 : memref<1x128xi32, #tpu.memory_space<vmem>> -> memref<128xi32, #tpu.memory_space<vmem>>
      %dma_start3A_303 = arith.constant 0 : i32
      %dma_start3A_304 = arith.constant 0 : i32
      %dma_start3A_305 = tpu.memref_slice %arg13[%dma_start3A_303, %dma_start3A_304] : memref<10008x128xf32, #tpu.memory_space<vmem_shared>> -> memref<10008x128xf32, #tpu.memory_space<vmem_shared>>
      tpu.enqueue_indirect_dma source(%arg11 : memref<128x128xf32, #tpu.memory_space<vmem>>) target(%dma_start3A_305 : memref<10008x128xf32, #tpu.memory_space<vmem_shared>>) offsets(%dma_start3A_302 : memref<128xi32, #tpu.memory_space<vmem>>) semaphore(%arg16 : memref<!tpu.dma_semaphore, #tpu.memory_space<semaphore_mem>>) {add = true}
      %add3A_306 = arith.constant 2 : i32
      %add3A_307 = arith.addi %add3A_288, %add3A_306 : i32
      %lt3A_308 = arith.constant 16 : i32
      %lt3A_309 = arith.cmpi slt, %add3A_307, %lt3A_308 : i32
      %convert_element_type3A_310 = arith.extui %lt3A_309 : i1 to i32
      %cond3A_311 = arith.constant 0 : i32
      %cond3A_312 = arith.cmpi ne, %convert_element_type3A_310, %cond3A_311 : i32
      scf.if %cond3A_312 {
        %dma_wait3A_341 = arith.constant 0 : i32
        %dma_wait3A_342 = arith.constant 0 : i32
        %dma_wait3A_343 = tpu.memref_slice %arg9[%dma_wait3A_341, %dma_wait3A_342] : memref<32x128xi32, #tpu.memory_space<vmem>> -> memref<1x128xi32, #tpu.memory_space<vmem>>
        %dma_wait3A_344 = tpu.memref_squeeze %dma_wait3A_343 : memref<1x128xi32, #tpu.memory_space<vmem>> -> memref<128xi32, #tpu.memory_space<vmem>>
        %dma_wait3A_345 = arith.constant 0 : i32
        %dma_wait3A_346 = arith.constant 0 : i32
        %dma_wait3A_347 = tpu.memref_slice %arg13[%dma_wait3A_345, %dma_wait3A_346] : memref<10008x128xf32, #tpu.memory_space<vmem_shared>> -> memref<10008x128xf32, #tpu.memory_space<vmem_shared>>
        tpu.wait_indirect_dma semaphore(%arg16 : memref<!tpu.dma_semaphore, #tpu.memory_space<semaphore_mem>>) src(%arg11 : memref<128x128xf32, #tpu.memory_space<vmem>>) dst(%dma_wait3A_347 : memref<10008x128xf32, #tpu.memory_space<vmem_shared>>)
        %add3A_348 = arith.constant 2 : i32
        %add3A_349 = arith.addi %add3A_288, %add3A_348 : i32
        %dma_start3A_350 = arith.constant 0 : i32
        %dma_start3A_351 = tpu.memref_slice %arg7[%add3A_349, %dma_start3A_350] : memref<32x128xi32, #tpu.memory_space<vmem>> -> memref<1x128xi32, #tpu.memory_space<vmem>>
        %dma_start3A_352 = tpu.memref_squeeze %dma_start3A_351 : memref<1x128xi32, #tpu.memory_space<vmem>> -> memref<128xi32, #tpu.memory_space<vmem>>
        %dma_start3A_353 = arith.constant 0 : i32
        %dma_start3A_354 = arith.constant 0 : i32
        %dma_start3A_355 = tpu.memref_slice %arg2[%arg0, %dma_start3A_353, %dma_start3A_354] : memref<2x10000x128xf32, #tpu.memory_space<hbm>> -> memref<1x10000x128xf32, #tpu.memory_space<hbm>>
        %dma_start3A_356 = tpu.memref_squeeze %dma_start3A_355 : memref<1x10000x128xf32, #tpu.memory_space<hbm>> -> memref<10000x128xf32, #tpu.memory_space<hbm>>
        %dma_start3A_357 = arith.constant 0 : i32
        %dma_start3A_358 = arith.constant 0 : i32
        %dma_start3A_359 = tpu.memref_slice %dma_start3A_356[%dma_start3A_357, %dma_start3A_358] : memref<10000x128xf32, #tpu.memory_space<hbm>> -> memref<10000x128xf32, #tpu.memory_space<hbm>>
        tpu.enqueue_indirect_dma source(%dma_start3A_359 : memref<10000x128xf32, #tpu.memory_space<hbm>>) target(%arg11 : memref<128x128xf32, #tpu.memory_space<vmem>>) offsets(%dma_start3A_352 : memref<128xi32, #tpu.memory_space<vmem>>) semaphore(%arg14 : memref<!tpu.dma_semaphore, #tpu.memory_space<semaphore_mem>>)
      } else {
      }
      %mul3A_313 = arith.constant 2 : i32
      %mul3A_314 = arith.muli %scan3A_284, %mul3A_313 : i32
      %add3A_315 = arith.constant 1 : i32
      %add3A_316 = arith.addi %mul3A_314, %add3A_315 : i32
      %dma_wait3A_317 = arith.constant 0 : i32
      %dma_wait3A_318 = arith.constant 0 : i32
      %dma_wait3A_319 = tpu.memref_slice %arg7[%dma_wait3A_317, %dma_wait3A_318] : memref<32x128xi32, #tpu.memory_space<vmem>> -> memref<1x128xi32, #tpu.memory_space<vmem>>
      %dma_wait3A_320 = tpu.memref_squeeze %dma_wait3A_319 : memref<1x128xi32, #tpu.memory_space<vmem>> -> memref<128xi32, #tpu.memory_space<vmem>>
      %dma_wait3A_321 = arith.constant 0 : i32
      %dma_wait3A_322 = arith.constant 0 : i32
      %dma_wait3A_323 = tpu.memref_slice %arg2[%arg0, %dma_wait3A_321, %dma_wait3A_322] : memref<2x10000x128xf32, #tpu.memory_space<hbm>> -> memref<1x10000x128xf32, #tpu.memory_space<hbm>>
      %dma_wait3A_324 = tpu.memref_squeeze %dma_wait3A_323 : memref<1x10000x128xf32, #tpu.memory_space<hbm>> -> memref<10000x128xf32, #tpu.memory_space<hbm>>
      %dma_wait3A_325 = arith.constant 0 : i32
      %dma_wait3A_326 = arith.constant 0 : i32
      %dma_wait3A_327 = tpu.memref_slice %dma_wait3A_324[%dma_wait3A_325, %dma_wait3A_326] : memref<10000x128xf32, #tpu.memory_space<hbm>> -> memref<10000x128xf32, #tpu.memory_space<hbm>>
      tpu.wait_indirect_dma semaphore(%arg15 : memref<!tpu.dma_semaphore, #tpu.memory_space<semaphore_mem>>) src(%dma_wait3A_327 : memref<10000x128xf32, #tpu.memory_space<hbm>>) dst(%arg12 : memref<128x128xf32, #tpu.memory_space<vmem>>)
      %dma_start3A_328 = arith.constant 0 : i32
      %dma_start3A_329 = tpu.memref_slice %arg9[%add3A_316, %dma_start3A_328] : memref<32x128xi32, #tpu.memory_space<vmem>> -> memref<1x128xi32, #tpu.memory_space<vmem>>
      %dma_start3A_330 = tpu.memref_squeeze %dma_start3A_329 : memref<1x128xi32, #tpu.memory_space<vmem>> -> memref<128xi32, #tpu.memory_space<vmem>>
      %dma_start3A_331 = arith.constant 0 : i32
      %dma_start3A_332 = arith.constant 0 : i32
      %dma_start3A_333 = tpu.memref_slice %arg13[%dma_start3A_331, %dma_start3A_332] : memref<10008x128xf32, #tpu.memory_space<vmem_shared>> -> memref<10008x128xf32, #tpu.memory_space<vmem_shared>>
      tpu.enqueue_indirect_dma source(%arg12 : memref<128x128xf32, #tpu.memory_space<vmem>>) target(%dma_start3A_333 : memref<10008x128xf32, #tpu.memory_space<vmem_shared>>) offsets(%dma_start3A_330 : memref<128xi32, #tpu.memory_space<vmem>>) semaphore(%arg17 : memref<!tpu.dma_semaphore, #tpu.memory_space<semaphore_mem>>) {add = true}
      %add3A_334 = arith.constant 2 : i32
      %add3A_335 = arith.addi %add3A_316, %add3A_334 : i32
      %lt3A_336 = arith.constant 16 : i32
      %lt3A_337 = arith.cmpi slt, %add3A_335, %lt3A_336 : i32
      %convert_element_type3A_338 = arith.extui %lt3A_337 : i1 to i32
      %cond3A_339 = arith.constant 0 : i32
      %cond3A_340 = arith.cmpi ne, %convert_element_type3A_338, %cond3A_339 : i32
      scf.if %cond3A_340 {
        %dma_wait3A_341 = arith.constant 0 : i32
        %dma_wait3A_342 = arith.constant 0 : i32
        %dma_wait3A_343 = tpu.memref_slice %arg9[%dma_wait3A_341, %dma_wait3A_342] : memref<32x128xi32, #tpu.memory_space<vmem>> -> memref<1x128xi32, #tpu.memory_space<vmem>>
        %dma_wait3A_344 = tpu.memref_squeeze %dma_wait3A_343 : memref<1x128xi32, #tpu.memory_space<vmem>> -> memref<128xi32, #tpu.memory_space<vmem>>
        %dma_wait3A_345 = arith.constant 0 : i32
        %dma_wait3A_346 = arith.constant 0 : i32
        %dma_wait3A_347 = tpu.memref_slice %arg13[%dma_wait3A_345, %dma_wait3A_346] : memref<10008x128xf32, #tpu.memory_space<vmem_shared>> -> memref<10008x128xf32, #tpu.memory_space<vmem_shared>>
        tpu.wait_indirect_dma semaphore(%arg17 : memref<!tpu.dma_semaphore, #tpu.memory_space<semaphore_mem>>) src(%arg12 : memref<128x128xf32, #tpu.memory_space<vmem>>) dst(%dma_wait3A_347 : memref<10008x128xf32, #tpu.memory_space<vmem_shared>>)
        %add3A_348 = arith.constant 2 : i32
        %add3A_349 = arith.addi %add3A_316, %add3A_348 : i32
        %dma_start3A_350 = arith.constant 0 : i32
        %dma_start3A_351 = tpu.memref_slice %arg7[%add3A_349, %dma_start3A_350] : memref<32x128xi32, #tpu.memory_space<vmem>> -> memref<1x128xi32, #tpu.memory_space<vmem>>
        %dma_start3A_352 = tpu.memref_squeeze %dma_start3A_351 : memref<1x128xi32, #tpu.memory_space<vmem>> -> memref<128xi32, #tpu.memory_space<vmem>>
        %dma_start3A_353 = arith.constant 0 : i32
        %dma_start3A_354 = arith.constant 0 : i32
        %dma_start3A_355 = tpu.memref_slice %arg2[%arg0, %dma_start3A_353, %dma_start3A_354] : memref<2x10000x128xf32, #tpu.memory_space<hbm>> -> memref<1x10000x128xf32, #tpu.memory_space<hbm>>
        %dma_start3A_356 = tpu.memref_squeeze %dma_start3A_355 : memref<1x10000x128xf32, #tpu.memory_space<hbm>> -> memref<10000x128xf32, #tpu.memory_space<hbm>>
        %dma_start3A_357 = arith.constant 0 : i32
        %dma_start3A_358 = arith.constant 0 : i32
        %dma_start3A_359 = tpu.memref_slice %dma_start3A_356[%dma_start3A_357, %dma_start3A_358] : memref<10000x128xf32, #tpu.memory_space<hbm>> -> memref<10000x128xf32, #tpu.memory_space<hbm>>
        tpu.enqueue_indirect_dma source(%dma_start3A_359 : memref<10000x128xf32, #tpu.memory_space<hbm>>) target(%arg12 : memref<128x128xf32, #tpu.memory_space<vmem>>) offsets(%dma_start3A_352 : memref<128xi32, #tpu.memory_space<vmem>>) semaphore(%arg15 : memref<!tpu.dma_semaphore, #tpu.memory_space<semaphore_mem>>)
      } else {
      }
    }
    %scan3A_258 = arith.constant 8 : i32
    %dma_wait3A_259 = arith.constant 0 : i32
    %dma_wait3A_260 = arith.constant 0 : i32
    %dma_wait3A_261 = tpu.memref_slice %arg9[%dma_wait3A_259, %dma_wait3A_260] : memref<32x128xi32, #tpu.memory_space<vmem>> -> memref<1x128xi32, #tpu.memory_space<vmem>>
    %dma_wait3A_262 = tpu.memref_squeeze %dma_wait3A_261 : memref<1x128xi32, #tpu.memory_space<vmem>> -> memref<128xi32, #tpu.memory_space<vmem>>
    %dma_wait3A_263 = arith.constant 0 : i32
    %dma_wait3A_264 = arith.constant 0 : i32
    %dma_wait3A_265 = tpu.memref_slice %arg13[%dma_wait3A_263, %dma_wait3A_264] : memref<10008x128xf32, #tpu.memory_space<vmem_shared>> -> memref<10008x128xf32, #tpu.memory_space<vmem_shared>>
    tpu.wait_indirect_dma semaphore(%arg16 : memref<!tpu.dma_semaphore, #tpu.memory_space<semaphore_mem>>) src(%arg11 : memref<128x128xf32, #tpu.memory_space<vmem>>) dst(%dma_wait3A_265 : memref<10008x128xf32, #tpu.memory_space<vmem_shared>>)
    %dma_wait3A_266 = arith.constant 0 : i32
    %dma_wait3A_267 = arith.constant 0 : i32
    %dma_wait3A_268 = tpu.memref_slice %arg9[%dma_wait3A_266, %dma_wait3A_267] : memref<32x128xi32, #tpu.memory_space<vmem>> -> memref<1x128xi32, #tpu.memory_space<vmem>>
    %dma_wait3A_269 = tpu.memref_squeeze %dma_wait3A_268 : memref<1x128xi32, #tpu.memory_space<vmem>> -> memref<128xi32, #tpu.memory_space<vmem>>
    %dma_wait3A_270 = arith.constant 0 : i32
    %dma_wait3A_271 = arith.constant 0 : i32
    %dma_wait3A_272 = tpu.memref_slice %arg13[%dma_wait3A_270, %dma_wait3A_271] : memref<10008x128xf32, #tpu.memory_space<vmem_shared>> -> memref<10008x128xf32, #tpu.memory_space<vmem_shared>>
    tpu.wait_indirect_dma semaphore(%arg17 : memref<!tpu.dma_semaphore, #tpu.memory_space<semaphore_mem>>) src(%arg12 : memref<128x128xf32, #tpu.memory_space<vmem>>) dst(%dma_wait3A_272 : memref<10008x128xf32, #tpu.memory_space<vmem_shared>>)
    %barrier3A_273 = arith.constant 0 : index
    tpu.barrier barrier_id(%barrier3A_273)
    %lt3A_274 = arith.constant 15 : i32
    %lt3A_275 = arith.cmpi slt, %arg1, %lt3A_274 : i32
    %convert_element_type3A_276 = arith.extui %lt3A_275 : i1 to i32
    %cond3A_277 = arith.constant 0 : i32
    %cond3A_278 = arith.cmpi ne, %convert_element_type3A_276, %cond3A_277 : i32
    scf.if %cond3A_278 {
      %mul3A_284 = arith.constant 632 : i32
      %mul3A_285 = arith.muli %arg1, %mul3A_284 : i32
      %mul3A_286 = arith.constant 632 : i32
      %mul3A_287 = arith.muli %arg1, %mul3A_286 : i32
      "tpu.region"() ({
        %run_scoped3A = tpu.sem_alloc : memref<!tpu.dma_semaphore, #tpu.memory_space<semaphore_mem>>
        %dma_start3A_288 = arith.constant 0 : i32
        %dma_start3A_289 = tpu.memref_slice %arg6[%arg0, %mul3A_287, %dma_start3A_288] : memref<2x10000x128xf32, #tpu.memory_space<hbm>> -> memref<1x632x128xf32, #tpu.memory_space<hbm>>
        %dma_start3A_290 = tpu.memref_squeeze %dma_start3A_289 : memref<1x632x128xf32, #tpu.memory_space<hbm>> -> memref<632x128xf32, #tpu.memory_space<hbm>>
        %dma_start3A_291 = arith.constant 0 : i32
        %dma_start3A_292 = tpu.memref_slice %arg13[%mul3A_285, %dma_start3A_291] : memref<10008x128xf32, #tpu.memory_space<vmem_shared>> -> memref<632x128xf32, #tpu.memory_space<vmem_shared>>
        tpu.enqueue_dma source(%dma_start3A_292 : memref<632x128xf32, #tpu.memory_space<vmem_shared>>) target(%dma_start3A_290 : memref<632x128xf32, #tpu.memory_space<hbm>>) target_semaphore(%run_scoped3A : memref<!tpu.dma_semaphore, #tpu.memory_space<semaphore_mem>>)
        %dma_wait3A_293 = arith.constant 0 : i32
        %dma_wait3A_294 = tpu.memref_slice %arg6[%arg0, %mul3A_287, %dma_wait3A_293] : memref<2x10000x128xf32, #tpu.memory_space<hbm>> -> memref<1x632x128xf32, #tpu.memory_space<hbm>>
        %dma_wait3A_295 = tpu.memref_squeeze %dma_wait3A_294 : memref<1x632x128xf32, #tpu.memory_space<hbm>> -> memref<632x128xf32, #tpu.memory_space<hbm>>
        %dma_wait3A_296 = arith.constant 0 : i32
        %dma_wait3A_297 = tpu.memref_slice %arg13[%mul3A_285, %dma_wait3A_296] : memref<10008x128xf32, #tpu.memory_space<vmem_shared>> -> memref<632x128xf32, #tpu.memory_space<vmem_shared>>
        tpu.wait_dma2 semaphore(%run_scoped3A : memref<!tpu.dma_semaphore, #tpu.memory_space<semaphore_mem>>) src(%dma_wait3A_297 : memref<632x128xf32, #tpu.memory_space<vmem_shared>>) dst(%dma_wait3A_295 : memref<632x128xf32, #tpu.memory_space<hbm>>)
        tpu.yield
      }) : () -> ()
    } else {
    }
    %eq3A_279 = arith.constant 15 : i32
    %eq3A_280 = arith.cmpi eq, %arg1, %eq3A_279 : i32
    %convert_element_type3A_281 = arith.extui %eq3A_280 : i1 to i32
    %cond3A_282 = arith.constant 0 : i32
    %cond3A_283 = arith.cmpi ne, %convert_element_type3A_281, %cond3A_282 : i32
    scf.if %cond3A_283 {
      "tpu.region"() ({
        %run_scoped3A = tpu.sem_alloc : memref<!tpu.dma_semaphore, #tpu.memory_space<semaphore_mem>>
        %dma_start3A_284 = arith.constant 9480 : i32
        %dma_start3A_285 = arith.constant 0 : i32
        %dma_start3A_286 = tpu.memref_slice %arg6[%arg0, %dma_start3A_284, %dma_start3A_285] : memref<2x10000x128xf32, #tpu.memory_space<hbm>> -> memref<1x520x128xf32, #tpu.memory_space<hbm>>
        %dma_start3A_287 = tpu.memref_squeeze %dma_start3A_286 : memref<1x520x128xf32, #tpu.memory_space<hbm>> -> memref<520x128xf32, #tpu.memory_space<hbm>>
        %dma_start3A_288 = arith.constant 9480 : i32
        %dma_start3A_289 = arith.constant 0 : i32
        %dma_start3A_290 = tpu.memref_slice %arg13[%dma_start3A_288, %dma_start3A_289] : memref<10008x128xf32, #tpu.memory_space<vmem_shared>> -> memref<520x128xf32, #tpu.memory_space<vmem_shared>>
        tpu.enqueue_dma source(%dma_start3A_290 : memref<520x128xf32, #tpu.memory_space<vmem_shared>>) target(%dma_start3A_287 : memref<520x128xf32, #tpu.memory_space<hbm>>) target_semaphore(%run_scoped3A : memref<!tpu.dma_semaphore, #tpu.memory_space<semaphore_mem>>)
        %dma_wait3A_291 = arith.constant 9480 : i32
        %dma_wait3A_292 = arith.constant 0 : i32
        %dma_wait3A_293 = tpu.memref_slice %arg6[%arg0, %dma_wait3A_291, %dma_wait3A_292] : memref<2x10000x128xf32, #tpu.memory_space<hbm>> -> memref<1x520x128xf32, #tpu.memory_space<hbm>>
        %dma_wait3A_294 = tpu.memref_squeeze %dma_wait3A_293 : memref<1x520x128xf32, #tpu.memory_space<hbm>> -> memref<520x128xf32, #tpu.memory_space<hbm>>
        %dma_wait3A_295 = arith.constant 9480 : i32
        %dma_wait3A_296 = arith.constant 0 : i32
        %dma_wait3A_297 = tpu.memref_slice %arg13[%dma_wait3A_295, %dma_wait3A_296] : memref<10008x128xf32, #tpu.memory_space<vmem_shared>> -> memref<520x128xf32, #tpu.memory_space<vmem_shared>>
        tpu.wait_dma2 semaphore(%run_scoped3A : memref<!tpu.dma_semaphore, #tpu.memory_space<semaphore_mem>>) src(%dma_wait3A_297 : memref<520x128xf32, #tpu.memory_space<vmem_shared>>) dst(%dma_wait3A_294 : memref<520x128xf32, #tpu.memory_space<hbm>>)
        tpu.yield
      }) : () -> ()
    } else {
    }
    return
  }
}

module attributes {stable_mosaic.version = 14 : i64} {
  func.func @_tc_body(%arg0: i32, %arg1: memref<2000x256xf32, #tpu.memory_space<vmem>>, %arg2: memref<2000x128xf32, #tpu.memory_space<vmem>>, %arg3: memref<2000x128xf32, #tpu.memory_space<vmem>>, %arg4: memref<256x256xf32, #tpu.memory_space<vmem>>, %arg5: memref<128x256xf32, #tpu.memory_space<vmem>>, %arg6: memref<128x256xf32, #tpu.memory_space<vmem>>, %arg7: memref<256x256xf32, #tpu.memory_space<vmem>>, %arg8: memref<1x256xf32, #tpu.memory_space<vmem>>, %arg9: memref<1x256xf32, #tpu.memory_space<vmem>>) attributes {dimension_semantics = [#tpu.dimension_semantics<arbitrary>], iteration_bounds = array<i64: 5>, scalar_prefetch = 0 : i64, scratch_operands = 1 : i64, tpu.core_type = #tpu.core_type<tc>, window_params = [{transform_indices = @transform_0, window_bounds = array<i64: 2000, 256>}, {transform_indices = @transform_1, window_bounds = array<i64: 2000, 128>}, {transform_indices = @transform_2, window_bounds = array<i64: 2000, 128>}, {pipeline_mode = #tpu.pipeline_mode<synchronous>, transform_indices = @transform_3, window_bounds = array<i64: 256, 256>}, {pipeline_mode = #tpu.pipeline_mode<synchronous>, transform_indices = @transform_4, window_bounds = array<i64: 128, 256>}, {pipeline_mode = #tpu.pipeline_mode<synchronous>, transform_indices = @transform_5, window_bounds = array<i64: 128, 256>}, {pipeline_mode = #tpu.pipeline_mode<synchronous>, transform_indices = @transform_6, window_bounds = array<i64: 256, 256>}, {pipeline_mode = #tpu.pipeline_mode<synchronous>, transform_indices = @transform_7, window_bounds = array<i64: 1, 256>}]} {
    %get3A = arith.constant 0 : index
    %get3A_0 = arith.constant 0 : index
    %get3A_1 = vector.load %arg1[%get3A, %get3A_0] : memref<2000x256xf32, #tpu.memory_space<vmem>>, vector<2000x256xf32>
    %get3A_2 = arith.constant 0 : index
    %get3A_3 = arith.constant 0 : index
    %get3A_4 = vector.load %arg4[%get3A_2, %get3A_3] : memref<256x256xf32, #tpu.memory_space<vmem>>, vector<256x256xf32>
    %dot_general3A = arith.constant dense<0.000000e+00> : vector<2000x256xf32>
    %dot_general3A_5 = tpu.matmul %get3A_1, %get3A_4, %dot_general3A {dimension_numbers = #tpu.dot_dimension_numbers<[1], [0], [0], [1], [0, 0, 1, 1], [], []>, transpose_lhs_hint = false} : vector<2000x256xf32>, vector<256x256xf32>, vector<2000x256xf32> -> vector<2000x256xf32>
    %get3A_6 = arith.constant 0 : index
    %get3A_7 = arith.constant 0 : index
    %get3A_8 = vector.load %arg2[%get3A_6, %get3A_7] : memref<2000x128xf32, #tpu.memory_space<vmem>>, vector<2000x128xf32>
    %get3A_9 = arith.constant 0 : index
    %get3A_10 = arith.constant 0 : index
    %get3A_11 = vector.load %arg5[%get3A_9, %get3A_10] : memref<128x256xf32, #tpu.memory_space<vmem>>, vector<128x256xf32>
    %dot_general3A_12 = arith.constant dense<0.000000e+00> : vector<2000x256xf32>
    %dot_general3A_13 = tpu.matmul %get3A_8, %get3A_11, %dot_general3A_12 {dimension_numbers = #tpu.dot_dimension_numbers<[1], [0], [0], [1], [0, 0, 1, 1], [], []>, transpose_lhs_hint = false} : vector<2000x128xf32>, vector<128x256xf32>, vector<2000x256xf32> -> vector<2000x256xf32>
    %add3A = arith.addf %dot_general3A_5, %dot_general3A_13 : vector<2000x256xf32>
    %get3A_14 = arith.constant 0 : index
    %get3A_15 = arith.constant 0 : index
    %get3A_16 = vector.load %arg3[%get3A_14, %get3A_15] : memref<2000x128xf32, #tpu.memory_space<vmem>>, vector<2000x128xf32>
    %get3A_17 = arith.constant 0 : index
    %get3A_18 = arith.constant 0 : index
    %get3A_19 = vector.load %arg6[%get3A_17, %get3A_18] : memref<128x256xf32, #tpu.memory_space<vmem>>, vector<128x256xf32>
    %dot_general3A_20 = arith.constant dense<0.000000e+00> : vector<2000x256xf32>
    %dot_general3A_21 = tpu.matmul %get3A_16, %get3A_19, %dot_general3A_20 {dimension_numbers = #tpu.dot_dimension_numbers<[1], [0], [0], [1], [0, 0, 1, 1], [], []>, transpose_lhs_hint = false} : vector<2000x128xf32>, vector<128x256xf32>, vector<2000x256xf32> -> vector<2000x256xf32>
    %add3A_22 = arith.addf %add3A, %dot_general3A_21 : vector<2000x256xf32>
    %tanh3A = math.tanh %add3A_22 : vector<2000x256xf32>
    %reduce_sum3A = arith.constant dense<0.000000e+00> : vector<256xf32>
    %reduce_sum3A_23 = vector.multi_reduction <add>, %tanh3A, %reduce_sum3A [0] : vector<2000x256xf32> to vector<256xf32>
    %broadcast_in_dim3A = vector.shape_cast %reduce_sum3A_23 : vector<256xf32> to vector<1x256xf32>
    %eq3A = arith.constant 0 : i32
    %eq3A_24 = arith.cmpi eq, %arg0, %eq3A : i32
    %convert_element_type3A = arith.extui %eq3A_24 : i1 to i32
    %cond3A = arith.constant 0 : i32
    %cond3A_25 = arith.cmpi ne, %convert_element_type3A, %cond3A : i32
    scf.if %cond3A_25 {
      %swap3A = arith.constant 0 : index
      %swap3A_35 = arith.constant 0 : index
      %swap3A_36 = vector.load %arg9[%swap3A, %swap3A_35] : memref<1x256xf32, #tpu.memory_space<vmem>>, vector<1x256xf32>
      tpu.vector_store %arg9[%swap3A, %swap3A_35], %broadcast_in_dim3A {strides = array<i32>} : memref<1x256xf32, #tpu.memory_space<vmem>>, vector<1x256xf32>,
    } else {
    }
    %ne3A = arith.constant 0 : i32
    %ne3A_26 = arith.cmpi ne, %arg0, %ne3A : i32
    %convert_element_type3A_27 = arith.extui %ne3A_26 : i1 to i32
    %cond3A_28 = arith.constant 0 : i32
    %cond3A_29 = arith.cmpi ne, %convert_element_type3A_27, %cond3A_28 : i32
    scf.if %cond3A_29 {
      %get3A_35 = arith.constant 0 : index
      %get3A_36 = arith.constant 0 : index
      %get3A_37 = vector.load %arg9[%get3A_35, %get3A_36] : memref<1x256xf32, #tpu.memory_space<vmem>>, vector<1x256xf32>
      %add3A_38 = arith.addf %get3A_37, %broadcast_in_dim3A : vector<1x256xf32>
      %swap3A = arith.constant 0 : index
      %swap3A_39 = arith.constant 0 : index
      %swap3A_40 = vector.load %arg9[%swap3A, %swap3A_39] : memref<1x256xf32, #tpu.memory_space<vmem>>, vector<1x256xf32>
      tpu.vector_store %arg9[%swap3A, %swap3A_39], %add3A_38 {strides = array<i32>} : memref<1x256xf32, #tpu.memory_space<vmem>>, vector<1x256xf32>,
    } else {
    }
    %eq3A_30 = arith.constant 4 : i32
    %eq3A_31 = arith.cmpi eq, %arg0, %eq3A_30 : i32
    %convert_element_type3A_32 = arith.extui %eq3A_31 : i1 to i32
    %cond3A_33 = arith.constant 0 : i32
    %cond3A_34 = arith.cmpi ne, %convert_element_type3A_32, %cond3A_33 : i32
    scf.if %cond3A_34 {
      %get3A_35 = arith.constant 0 : index
      %get3A_36 = arith.constant 0 : index
      %get3A_37 = vector.load %arg9[%get3A_35, %get3A_36] : memref<1x256xf32, #tpu.memory_space<vmem>>, vector<1x256xf32>
      %get3A_38 = arith.constant 0 : index
      %get3A_39 = arith.constant 0 : index
      %get3A_40 = vector.load %arg7[%get3A_38, %get3A_39] : memref<256x256xf32, #tpu.memory_space<vmem>>, vector<256x256xf32>
      %dot_general3A_41 = arith.constant dense<0.000000e+00> : vector<1x256xf32>
      %dot_general3A_42 = tpu.matmul %get3A_37, %get3A_40, %dot_general3A_41 {dimension_numbers = #tpu.dot_dimension_numbers<[1], [0], [0], [1], [0, 0, 1, 1], [], []>, transpose_lhs_hint = false} : vector<1x256xf32>, vector<256x256xf32>, vector<1x256xf32> -> vector<1x256xf32>
      %swap3A = arith.constant 0 : index
      %swap3A_43 = arith.constant 0 : index
      %swap3A_44 = vector.load %arg8[%swap3A, %swap3A_43] : memref<1x256xf32, #tpu.memory_space<vmem>>, vector<1x256xf32>
      tpu.vector_store %arg8[%swap3A, %swap3A_43], %dot_general3A_42 {strides = array<i32>} : memref<1x256xf32, #tpu.memory_space<vmem>>, vector<1x256xf32>,
    } else {
    }
    return
  }
  func.func @transform_0(%arg0: i32) -> (i32, i32) {
    %c0_i32 = arith.constant 0 : i32
    %c0_i32_0 = arith.constant 0 : i32
    return %arg0, %c0_i32 : i32, i32
  }
  func.func @transform_1(%arg0: i32) -> (i32, i32) {
    %c0_i32 = arith.constant 0 : i32
    %c0_i32_0 = arith.constant 0 : i32
    return %arg0, %c0_i32 : i32, i32
  }
  func.func @transform_2(%arg0: i32) -> (i32, i32) {
    %c0_i32 = arith.constant 0 : i32
    %c0_i32_0 = arith.constant 0 : i32
    return %arg0, %c0_i32 : i32, i32
  }
  func.func @transform_3(%arg0: i32) -> (i32, i32) {
    %c0_i32 = arith.constant 0 : i32
    %c0_i32_0 = arith.constant 0 : i32
    %c0_i32_1 = arith.constant 0 : i32
    return %c0_i32, %c0_i32_0 : i32, i32
  }
  func.func @transform_4(%arg0: i32) -> (i32, i32) {
    %c0_i32 = arith.constant 0 : i32
    %c0_i32_0 = arith.constant 0 : i32
    %c0_i32_1 = arith.constant 0 : i32
    return %c0_i32, %c0_i32_0 : i32, i32
  }
  func.func @transform_5(%arg0: i32) -> (i32, i32) {
    %c0_i32 = arith.constant 0 : i32
    %c0_i32_0 = arith.constant 0 : i32
    %c0_i32_1 = arith.constant 0 : i32
    return %c0_i32, %c0_i32_0 : i32, i32
  }
  func.func @transform_6(%arg0: i32) -> (i32, i32) {
    %c0_i32 = arith.constant 0 : i32
    %c0_i32_0 = arith.constant 0 : i32
    %c0_i32_1 = arith.constant 0 : i32
    return %c0_i32, %c0_i32_0 : i32, i32
  }
  func.func @transform_7(%arg0: i32) -> (i32, i32) {
    %c0_i32 = arith.constant 0 : i32
    %c0_i32_0 = arith.constant 0 : i32
    %c0_i32_1 = arith.constant 0 : i32
    return %c0_i32, %c0_i32_0 : i32, i32
  }
}

</mosaic_0001>

<sc_bundles>
// kernel: kernel.4.cloned.1.call-start
scs
__scs_entry_jumppad:
0x0: {  	(pc) =	sbr.rel $0x88, $3  }
0x1: {  	(tag) =	ssettag $0x0;
	lr =	simm.s32 $0x1  }
0x2: {  	[smem:$0x3F9C] =	sst lr;
	_ =	strace $0xD0000000  }
0x3: {  	_ = 	snop  }
0x4: {  	_ = 	snop  }
0x5: {  	_ = 	snop  }
0x6: {  	_ = 	snop  }
0x7: {  	_ = 	snop  }
__scs_overlays_trampoline_lowered:
0x8: {  	[smem:$0x3FAB] =	sst s0  }
0x9: {  	[smem:$0x3FAC] =	sst s1  }
0xa: {  	[smem:$0x3FAD] =	sst s2  }
0xb: {  	[smem:$0x3FAE] =	sst s3  }
0xc: {  	[smem:$0x3FAF] =	sst s4  }
0xd: {  	[smem:$0x3FB0] =	sst s5  }
0xe: {  	[smem:$0x3FB1] =	sst s6  }
0xf: {  	[smem:$0x3FB2] =	sst s7  }
0x10: {  	[smem:$0x3FB3] =	sst s8  }
0x11: {  	[smem:$0x3FB4] =	sst s9;
	s0 =	simm.s32 @!p0 $0x0  }
0x12: {  	s1 =	sld [smem:$0x3F9A];
	s0 =	simm.s32 @p0 $0x1  }
0x13: {  	[smem:$0x3FB5] =	sst s0;
	s0 =	simm.s32 @!p1 $0x0  }
0x14: {  	s2 =	sld [smem:$0x3F99];
	s0 =	simm.s32 @p1 $0x1  }
0x15: {  	[smem:$0x3FB6] =	sst s0;
	s0 =	simm.s32 @!p2 $0x0  }
0x16: {  	s3 =	sld [smem:$0x3FDB];
	s0 =	simm.s32 @p2 $0x1  }
0x17: {  	s4 =	simm.s32 $0x1BF5;
	[smem:$0x3FB8] =	sst s0  }
0x18: {  	s0 =	sld [smem:$0x3F9B];
	_ =	swait.ge [sflag:s4], $0x0  }
0x19: {  	s7 =	sld [smem:$0x3F9C]  }
0x1a: {  	s8 =	sadd.s32 $0xFFFFE003, lr  }
0x1b: {  	s9 =	sadd.s32 $0xFFFFFEF7, lr;
	s5 =	simm.s32 $0xFFFFFFFF;
	p2 =	slt.u32 s8, $0xFFFFF086  }
0x1c: {  	p1 =	slt.u32 s9, $0xF7A;
	s5 =	simm.s32 @!p2 $0x0  }
0x1d: {  	s5 =	simm.s32 @p1 $0x1;
	p0 =	seq.s32 s7, s2  }
0x1e: {  	s7 =	smul.u32 @!p0 $0xF7A, s2;
	p2 =	seq.s32 @!p0 s5, $0x0  }
0x1f: {  	s9 =	smul.u32 $0xF7A, s1;
	s8 =	simm.s32 @!p0 $0x1BF5;
	p2 =	por !p2, p0  }
0x20: {  	[sflag:s8] =	ssyncset.s32 @!p0 $0xFFFFF086;
	s6 =	sadd.s32 @!p0 s3, s7;
	s7 =	simm.s32 @!p0 $0x108  }
0x21: {  	s3 =	sadd.s32 s3, s9;
	s6 =	sadd.s32 @!p0 $0x88, s6;
	s7 =	simm.s32 @p2 $0x1082  }
0x22: {  	[simem:s7], [sflag:s8] =	dma.local @!p0 [hbm:s6], $0xF7A  }
0x23: {  	s9 =	sor.u32 $0xD0000000, s2;
	s6 =	simm.s32 $0x108;
	_ =	swait.ge @!p0 [sflag:s8], $0x0  }
0x24: {  	s3 =	sadd.s32 $0x88, s3;
	s6 =	simm.s32 @!p1 $0x1082;
	[sflag:s4] =	ssyncset.s32 $0xFFFFF086  }
0x25: {  	[simem:s6], [sflag:s4] =	dma.local [hbm:s3], $0xF7A  }
0x26: {  	[smem:$0x3F9C] =	sst s1;
	(tag) =	ssettag s2;
	_ =	strace s9  }
0x27: {  	s1 =	sld [smem:$0x3FAC]  }
0x28: {  	s2 =	sld [smem:$0x3FAD]  }
0x29: {  	s4 =	sld [smem:$0x3FAF]  }
0x2a: {  	p0 =	seq.s32 s5, $0x0;
	s5 =	sld [smem:$0x3FB0]  }
0x2b: {  	s6 =	sld [smem:$0x3FB1]  }
0x2c: {  	s7 =	sld [smem:$0x3FB2]  }
0x2d: {  	s3 =	simm.s32 $0x108;
	s8 =	sld [smem:$0x3FB3]  }
0x2e: {  	s3 =	simm.s32 @!p0 $0x1082;
	s9 =	sld [smem:$0x3FB4]  }
0x2f: {  	lr =	sadd.s32 s0, s3;
	s0 =	sld [smem:$0x3FAB]  }
0x30: {  	s3 =	sld [smem:$0x3FAE]  }
0x31: {  	[smem:$0x3FB7] =	sst s10  }
0x32: {  	s10 =	sld [smem:$0x3FB5];
	_ =	sdelay $0x3  }
0x33: {  	p0 =	seq.s32 s10, $0x1;
	s10 =	sld [smem:$0x3FB7];
	_ =	sdelay $0x3  }
0x34: {  	[smem:$0x3FB7] =	sst s10  }
0x35: {  	s10 =	sld [smem:$0x3FB6];
	_ =	sdelay $0x3  }
0x36: {  	p1 =	seq.s32 s10, $0x1;
	s10 =	sld [smem:$0x3FB7];
	_ =	sdelay $0x3  }
0x37: {  	[smem:$0x3FB7] =	sst s10  }
0x38: {  	s10 =	sld [smem:$0x3FB8]  }
0x39: {  	_ = 	snop;
	(pc) =	sbr.ind lr, $3  }
0x3a: {  	_ = 	snop  }
0x3b: {  	_ = 	snop  }
0x3c: {  	p2 =	seq.s32 s10, $0x1;
	s10 =	sld [smem:$0x3FB7]  }
0x3d: {  	_ =	shalt  }
0x3e: {  	_ =	shalt  }
0x3f: {  	_ =	shalt  }
0x40: {  	_ =	shalt  }
0x41: {  	_ =	shalt  }
0x42: {  	_ =	shalt  }
0x43: {  	_ =	shalt  }
0x44: {  	_ =	shalt  }
0x45: {  	_ =	shalt  }
0x46: {  	_ =	shalt  }
0x47: {  	_ =	shalt  }
0x48: {  	_ =	shalt  }
0x49: {  	_ =	shalt  }
0x4a: {  	_ =	shalt  }
0x4b: {  	_ =	shalt  }
0x4c: {  	_ =	shalt  }
0x4d: {  	_ =	shalt  }
0x4e: {  	_ =	shalt  }
0x4f: {  	_ =	shalt  }
0x50: {  	_ =	shalt  }
0x51: {  	_ =	shalt  }
0x52: {  	_ =	shalt  }
0x53: {  	_ =	shalt  }
0x54: {  	_ =	shalt  }
0x55: {  	_ =	shalt  }
0x56: {  	_ =	shalt  }
0x57: {  	_ =	shalt  }
0x58: {  	_ =	shalt  }
0x59: {  	_ =	shalt  }
0x5a: {  	_ =	shalt  }
0x5b: {  	_ =	shalt  }
0x5c: {  	_ =	shalt  }
0x5d: {  	_ =	shalt  }
0x5e: {  	_ =	shalt  }
0x5f: {  	_ =	shalt  }
0x60: {  	_ =	shalt  }
0x61: {  	_ =	shalt  }
0x62: {  	_ =	shalt  }
0x63: {  	_ =	shalt  }
0x64: {  	_ =	shalt  }
0x65: {  	_ =	shalt  }
0x66: {  	_ =	shalt  }
0x67: {  	_ =	shalt  }
0x68: {  	_ =	shalt  }
0x69: {  	_ =	shalt  }
0x6a: {  	_ =	shalt  }
0x6b: {  	_ =	shalt  }
0x6c: {  	_ =	shalt  }
0x6d: {  	_ =	shalt  }
0x6e: {  	_ =	shalt  }
0x6f: {  	_ =	shalt  }
0x70: {  	_ =	shalt  }
0x71: {  	_ =	shalt  }
0x72: {  	_ =	shalt  }
0x73: {  	_ =	shalt  }
0x74: {  	_ =	shalt  }
0x75: {  	_ =	shalt  }
0x76: {  	_ =	shalt  }
0x77: {  	_ =	shalt  }
0x78: {  	_ =	shalt  }
0x79: {  	_ =	shalt  }
0x7a: {  	_ =	shalt  }
0x7b: {  	_ =	shalt  }
0x7c: {  	_ =	shalt  }
0x7d: {  	_ =	shalt  }
0x7e: {  	_ =	shalt  }
0x7f: {  	_ =	shalt  }
0x80: {  	_ =	shalt  }
0x81: {  	_ =	shalt  }
0x82: {  	_ =	shalt  }
0x83: {  	_ =	shalt  }
0x84: {  	_ =	shalt  }
0x85: {  	_ =	shalt  }
0x86: {  	_ =	shalt  }
0x87: {  	_ =	shalt  }
.Lfunc_end0:
.L_simem_size_0:
called_computation_lowered:
.L_overlay_start_0:
0x88: {  	s2 =	sld [smem:$0x3FD9]  }
0x89: {  	s3 =	sld [smem:$0x3FFE];
	_ =	sdelay $0x1  }
0x8a: {  	s1 =	srdreg.scid  }
0x8b: {  	s0 =	sand.u32 $0x1, s1  }
0x8c: {  	s16 =	sshll.u32 s0, $0xA;
	s2 =	sadd.s32 s3, s2  }
0x8d: {  	s2 =	sadd.s32 s2, s16  }
0x8e: {  	[smem:$0x3FC3] =	sst s2  }
0x8f: {  	_ = 	snop  }
0x90: {  	(tm) =	ssettm $0x1  }
0x91: {  	s17 =	sld [smem:$0x3FFB];
	_ =	sdelay $0x3  }
0x92: {  	_ =	strace s17  }
0x93: {  	s2 =	sld [smem:$0x3FFC];
	_ =	sdelay $0x3  }
0x94: {  	_ =	strace s2  }
0x95: {  	s2 =	sld [smem:$0x3FFD];
	_ =	sdelay $0x3  }
0x96: {  	_ =	strace s2  }
0x97: {  	_ =	strace $0x8FFFFFFF  }
0x98: {  	s18 =	sld [smem:$0x3FDB];
	_ =	sdelay $0x1  }
0x99: {  	s19 =	simm.s32 $_scs_section_size  }
0x9a: {  	s4 =	simm.s32 $_size__tile_overlayer_lowered;
	s5 =	simm.s32 $_tile_overlayer_lowered  }
0x9b: {  	s22 =	simm.s32 $0x1BFF;
	s21 =	sshll.u32 s5, $0x1;
	s2 =	sadd.s32 s19, s18  }
0x9c: {  	s6 =	simm.s32 $0x0;
	s20 =	sshll.u32 s4, $0x1;
	s4 =	sadd.s32 s21, s2  }
0x9d: {  	[timem:s6], [sflag:s22] =	dma.local [hbm:s4], s20  }
0x9e: {  	_ =	swait.ge [sflag:s22], s20  }
0x9f: {  	s3 =	ssub.s32 $0x0, s20;
	[sflag:s22] =	ssyncset.done $0x0  }
0xa0: {  	[sflag:s22] =	ssyncadd.s32 s3;
	_ =	sdelay $0x1  }
0xa1: {  	s23 =	simm.s32 $0x1B8B  }
0xa2: {  	_ =	swait.ge [sflag:s23], $0x1  }
0xa3: {  	[sflag:s23] =	ssyncset.done $0x0  }
0xa4: {  	s25 =	simm.s32 $0x1B8E;
	s24 =	sld [smem:$0x3FFE];
	[sflag:s23] =	ssyncadd.s32 $0xFFFFFFFF  }
0xa5: {  	s26 =	simm.s32 $execute0_lowered;
	[smem:$0x3FD2] =	sst s25  }
0xa6: {  	s4 =	sshll.u32 s26, $0x1;
	_ =	strace $0x80000046;
	[dreg:$0x1] =	wrdreg $0xFFFFFFFF  }
0xa7: {  	s28 =	simm.s32 $_size_execute0_lowered;
	s2 =	sadd.s32 s2, s4;
	[dreg:$0x0] =	wrdreg $0x0  }
0xa8: {  	s4 =	sshll.u32 s28, $0x1;
	[dreg:$0x2] =	wrdreg s2  }
0xa9: {  	[dreg:$0x3] =	wrdreg s4  }
0xaa: {  	[dreg:$0x4] =	wrdreg $0xC0  }
0xab: {  	_ =	task [dreg:s6], $0x5FFFF  }
0xac: {  	[dreg:$0x1] =	wrdreg $0xFFFFFFFF  }
0xad: {  	[dreg:$0x0] =	wrdreg $0x60  }
0xae: {  	[dreg:$0x2] =	wrdreg s24  }
0xaf: {  	[dreg:$0x3] =	wrdreg $0xC0000  }
0xb0: {  	[dreg:$0x4] =	wrdreg $0x9  }
0xb1: {  	_ =	task.clear_ibuf [dreg:s6], $0x5FFFF;
	_ =	strace $0x90000046  }
0xb2: {  	s29 =	simm.s32 $0x9;
	_ =	strace $0x80000048  }
0xb3: {  	_ =	swait.ge [sflag:s29], $0x1  }
0xb4: {  	[sflag:s29] =	ssyncadd.s32 $0xFFFFFFFF  }
0xb5: {  	_ =	strace $0x90000048  }
0xb6: {  	_ =	sfence  }
0xb7: {  	s30 =	sld [smem:$0x0];
	_ =	sdelay $0x2  }
0xb8: {  	s31 =	sshll.u32 s1, $0xD;
	s1 =	sshrl.u32 s1, $0x2  }
0xb9: {  	s3 =	sand.u32 $0x4000, s31;
	s1 =	sadd.s32 s1, s30  }
0xba: {  	s0 =	sor.u32 s3, s0;
	s1 =	sshll.u32 s1, $0x11  }
0xbb: {  	s0 =	sor.u32 s1, s0  }
0xbc: {  	s0 =	sadd.s32 $0x8F2B, s0  }
0xbd: {  	[sflag:s0] =	ssyncadd.remote.s32 $0x1  }
0xbe: {  	_ =	sfence.sel $0xFFFF  }
0xbf: {  	[dreg:$0x0] =	wrdreg $0xFFFFFFFF;
	(pc) =	sbr.abs _section_cstart, $3  }
0xc0: {  	[dreg:$0x1] =	wrdreg $0xFFFFFFFF  }
0xc1: {  	_ =	task.clear_ibuf [dreg:s6], $0x2FFFF;
	_ =	strace $0x9FFFFFFF  }
0xc2: {  	(tm) =	ssettm $0x7FFFFFFF  }
0xc3: {  	_ =	shalt  }
tec
execute0_lowered:
.L_overlay_start_1:
0x0: {  	(tag) =	ssettag $0x1  }
0x1: {  	s3 =	rddreg [dreg:$0x0]  }
0x2: {  	s0 =	srdreg.scid;
	s1 =	rddreg [dreg:$0x1]  }
0x3: {  	s2 =	simm.s32 $0x0;
	s18 =	stileid.u32;
	s19 =	simm.s32 $0x1000  }
0x4: {  	s21 =	simm.s32 $0x80;
	s22 =	simm.s32 $0x4000;
	s23 =	simm.s32 $0x8000  }
0x5: {  	s24 =	simm.s32 $0x1;
	s25 =	simm.s32 $0x3;
	s26 =	simm.s32 $0x2  }
0x6: {  	s28 =	simm.s32 $0x4;
	s31 =	simm.s32 $0x0;
	s6 =	smul.u32 $0x500, s18  }
0x7: {  	s0 =	sand.u32 $0x1, s0;
	[smem:$0x7FF] =	sst s2;
	s7 =	smul.u32 $0x4F000, s18  }
0x8: {  	s11 =	sadd.s32 $0x6600, s3;
	s14 =	sadd.s32 $0x1600, s3;
	s8 =	smul.u32 $0x2800, s18  }
0x9: {  	s4 =	sadd.s32 $0x59800, s3;
	s17 =	sadd.s32 $0x128400, s1;
	s16 =	smul.u32 $0x13C00, s18  }
0xa: {  	p0 =	seq.s32 s18, $0xF;
	s18 =	simm.s32 $0x5;
	s12 =	smul.u32 $0x138800, s0  }
0xb: {  	_ =	strace $0x80000047;
	s0 =	ssub.s32 $0x2, s0;
	s17 =	sshrl.u32 @p0 s17, $0x3  }
0xc: {  	s5 =	sshrl.u32 s0, $0x1;
	s7 =	sshrl.u32 s7, $0x2;
	s15 =	sshrl.u32 s8, $0x3  }
0xd: {  	s13 =	sshrl.u32 s12, $0x3;
	s0 =	ssub.s32 s0, s5;
	s5 =	sadd.s32 s11, s6  }
0xe: {  	s6 =	sadd.s32 s14, s6;
	s7 =	sadd.s32 s7, s1;
	s9 =	sadd.s32 $0x200, s15  }
0xf: {  	s15 =	sadd.s32 $0x400, s15;
	s16 =	sadd.s32 s16, s12;
	s10 =	sadd.s32 s13, s3  }
0x10: {  	s3 =	sadd.s32 $0x5C000, s3;
	s8 =	sadd.s32 s11, s9;
	s9 =	sadd.s32 s14, s9  }
0x11: {  	s11 =	sadd.s32 s11, s15;
	s12 =	sadd.s32 s14, s15;
	s29 =	sshrl.u32 s16, $0x3  }
0x12: {  	s15 =	smax.u32 s0, $0x1;
	s16 =	simm.s32 $0x2000;
	s30 =	sadd.s32 s3, s13  }
0x13: {  	s10 =	sadd.s32 $0xB600, s10;
	s13 =	sadd.s32 s3, s29;
	s14 =	sadd.s32 $0x25080, s30  }
.LBB2_1:
0x14: {  	[tilespmem:s2], [sflag:$0x5] =	stream.linear.gather [hbm4b:s5+s2], $0x1000, $0x38;
	[tilespmem:$0x1F8C0] =	vst v63  }
0x15: {  	s0 =	simm.s32 @p0 $0x1FC6  }
0x16: {  	[tilespmem:s16], [sflag:$0x5] =	stream.linear.gather [hbm4b:s6+s2], $0x1000, $0x38;
	[tilespmem:$0x1F8C0] =	vst v63  }
0x17: {  	[spmem:s17], [sflag:s0] =	dma.local @p0 [hbm:s4], $0x2080  }
0x18: {  	s0 =	simm.s32 @p0 $0x6  }
0x19: {  	s3 =	stileid.u32;
	_ =	swait.ge @p0 [sflag:s0], $0x2080  }
0x1a: {  	s29 =	simm.s32 @!p0 $0x6;
	s20 =	sshll.u32 @!p0 s3, $0x6;
	[sflag:s0] =	ssyncset.done @p0 $0x0  }
0x1b: {  	[sflag:s0] =	ssyncadd.s32 @p0 $0xFFFFDF80;
	s0 =	sor.u32 @!p0 $0x1C06, s20;
	s20 =	sshrl.u32 @!p0 s7, $0x3  }
0x1c: {  	[spmem:s20], [sflag:s0] =	dma.local @!p0 [hbm:s4], $0x2780  }
0x1d: {  	_ =	swait.ge @!p0 [sflag:s29], $0x2780  }
0x1e: {  	[sflag:s29] =	ssyncset.done @!p0 $0x0  }
0x1f: {  	[sflag:s29] =	ssyncadd.s32 @!p0 $0xFFFFD880  }
0x20: {  	_ =	swait.ge [sflag:s18], $0x1000  }
0x21: {  	[sflag:s18] =	ssyncset.done $0x0  }
0x22: {  	[sflag:s18] =	ssyncadd.s32 $0xFFFFF000  }
0x23: {  	_ =	swait.ge [sflag:s18], $0x1000  }
0x24: {  	[sflag:s18] =	ssyncset.done $0x0  }
0x25: {  	[sflag:s18] =	ssyncadd.s32 $0xFFFFF000  }
0x26: {  	[bflag:$0x0] =	sbarrier.arrive $0xFFFF  }
0x27: {  	[tilespmem:s19], [sflag:$0x5] =	stream.linear.gather [hbm4b:s8+s2], $0x1000, $0x38;
	[tilespmem:$0x1F8C0] =	vst v63  }
0x28: {  	s3 =	simm.s32 $0x3000  }
0x29: {  	[tilespmem:s3], [sflag:$0x5] =	stream.linear.gather [hbm4b:s9+s2], $0x1000, $0x38;
	[tilespmem:$0x1F8C0] =	vst v63  }
0x2a: {  	_ = 	snop  }
0x2b: {  	[tilespmem:s22], [sflag:$0x1] =	stream.indirect.gather [hbm4b:s10+s21], $0x80, s2, s21, $0xb8;
	[tilespmem:$0x1F8C0] =	vst v63  }
0x2c: {  	_ = 	snop  }
0x2d: {  	[tilespmem:s23], [sflag:$0x2] =	stream.indirect.gather [hbm4b:s10+s21], $0x80, s21, s21, $0xb8;
	[tilespmem:$0x1F8C0] =	vst v63  }
0x2e: {  	_ =	swait.ge [sflag:s24], $0x4000  }
0x2f: {  	[sflag:s24] =	ssyncset.done $0x0  }
0x30: {  	s29 =	simm.s32 $0x2000;
	[sflag:s24] =	ssyncadd.s32 $0xFFFFC000  }
0x31: {  	[spmem:s1] =	stream.indirect.scatter.add.f32 [tilespmem:s22], [sflag:$0x3], $0x80, s29, s21, $0xb8;
	[tilespmem:$0x1F8C0] =	vst v63  }
0x32: {  	_ =	swait.ge [sflag:s25], $0x4000  }
0x33: {  	[sflag:s25] =	ssyncset.done $0x0  }
0x34: {  	s29 =	simm.s32 $0x100;
	[sflag:s25] =	ssyncadd.s32 $0xFFFFC000  }
0x35: {  	[tilespmem:s22], [sflag:$0x1] =	stream.indirect.gather [hbm4b:s10+s21], $0x80, s29, s21, $0xb8;
	[tilespmem:$0x1F8C0] =	vst v63  }
0x36: {  	_ =	swait.ge [sflag:s26], $0x4000  }
0x37: {  	[sflag:s26] =	ssyncset.done $0x0  }
0x38: {  	s29 =	simm.s32 $0x2080;
	[sflag:s26] =	ssyncadd.s32 $0xFFFFC000  }
0x39: {  	[spmem:s1] =	stream.indirect.scatter.add.f32 [tilespmem:s23], [sflag:$0x4], $0x80, s29, s21, $0xb8;
	[tilespmem:$0x1F8C0] =	vst v63  }
0x3a: {  	_ =	swait.ge [sflag:s28], $0x4000  }
0x3b: {  	[sflag:s28] =	ssyncset.done $0x0  }
0x3c: {  	s30 =	simm.s32 $0x180;
	s29 =	simm.s32 $0x400;
	[sflag:s28] =	ssyncadd.s32 $0xFFFFC000  }
.LBB2_2:
0x3d: {  	[tilespmem:s23], [sflag:$0x2] =	stream.indirect.gather [hbm4b:s10+s21], $0x80, s30, s21, $0xb8;
	[tilespmem:$0x1F8C0] =	vst v63  }
0x3e: {  	s30 =	smov.u32 s29  }
0x3f: {  	p1 =	sne.s32 s29, $0x3800;
	s29 =	sadd.s32 $0x400, s29;
	_ =	swait.ge [sflag:s24], $0x4000  }
0x40: {  	s30 =	sshra.s32 s30, $0x2;
	[sflag:s24] =	ssyncset.done $0x0  }
0x41: {  	s3 =	sadd.s32 $0x2000, s30;
	[sflag:s24] =	ssyncadd.s32 $0xFFFFC000  }
0x42: {  	[spmem:s1] =	stream.indirect.scatter.add.f32 [tilespmem:s22], [sflag:$0x3], $0x80, s3, s21, $0xb8;
	[tilespmem:$0x1F8C0] =	vst v63  }
0x43: {  	_ =	swait.ge [sflag:s25], $0x4000  }
0x44: {  	[sflag:s25] =	ssyncset.done $0x0  }
0x45: {  	s3 =	sadd.s32 $0x100, s30;
	[sflag:s25] =	ssyncadd.s32 $0xFFFFC000  }
0x46: {  	[tilespmem:s22], [sflag:$0x1] =	stream.indirect.gather [hbm4b:s10+s21], $0x80, s3, s21, $0xb8;
	[tilespmem:$0x1F8C0] =	vst v63  }
0x47: {  	_ =	swait.ge [sflag:s26], $0x4000  }
0x48: {  	[sflag:s26] =	ssyncset.done $0x0  }
.Ltmp0:
0x49: {  	s3 =	sadd.s32 $0x2080, s30;
	[sflag:s26] =	ssyncadd.s32 $0xFFFFC000;
	(pc) =	sbr.rel @p1 .LBB2_2-.Ltmp0, $4  }
0x4a: {  	[spmem:s1] =	stream.indirect.scatter.add.f32 [tilespmem:s23], [sflag:$0x4], $0x80, s3, s21, $0xb8;
	[tilespmem:$0x1F8C0] =	vst v63  }
0x4b: {  	_ =	swait.ge [sflag:s28], $0x4000  }
0x4c: {  	[sflag:s28] =	ssyncset.done $0x0  }
0x4d: {  	s30 =	sadd.s32 $0x180, s30;
	[sflag:s28] =	ssyncadd.s32 $0xFFFFC000  }
0x4e: {  	[tilespmem:s23], [sflag:$0x2] =	stream.indirect.gather [hbm4b:s10+s21], $0x80, s30, s21, $0xb8;
	[tilespmem:$0x1F8C0] =	vst v63  }
0x4f: {  	_ =	swait.ge [sflag:s24], $0x4000  }
0x50: {  	[sflag:s24] =	ssyncset.done $0x0  }
0x51: {  	s3 =	simm.s32 $0x2F00;
	[sflag:s24] =	ssyncadd.s32 $0xFFFFC000  }
0x52: {  	[spmem:s1] =	stream.indirect.scatter.add.f32 [tilespmem:s22], [sflag:$0x3], $0x80, s3, s21, $0xb8;
	[tilespmem:$0x1F8C0] =	vst v63  }
0x53: {  	_ =	swait.ge [sflag:s26], $0x4000  }
0x54: {  	[sflag:s26] =	ssyncset.done $0x0  }
0x55: {  	s3 =	simm.s32 $0x2F80;
	[sflag:s26] =	ssyncadd.s32 $0xFFFFC000  }
0x56: {  	[spmem:s1] =	stream.indirect.scatter.add.f32 [tilespmem:s23], [sflag:$0x4], $0x80, s3, s21, $0xb8;
	[tilespmem:$0x1F8C0] =	vst v63  }
0x57: {  	_ =	swait.ge [sflag:s25], $0x4000  }
0x58: {  	[sflag:s25] =	ssyncset.done $0x0  }
0x59: {  	[sflag:s25] =	ssyncadd.s32 $0xFFFFC000  }
0x5a: {  	_ =	swait.ge [sflag:s28], $0x4000  }
0x5b: {  	[sflag:s28] =	ssyncset.done $0x0  }
0x5c: {  	[sflag:s28] =	ssyncadd.s32 $0xFFFFC000  }
0x5d: {  	_ =	swait.ge [sflag:s18], $0x1000  }
0x5e: {  	[sflag:s18] =	ssyncset.done $0x0  }
0x5f: {  	[sflag:s18] =	ssyncadd.s32 $0xFFFFF000  }
0x60: {  	_ =	swait.ge [sflag:s18], $0x1000  }
0x61: {  	[sflag:s18] =	ssyncset.done $0x0  }
0x62: {  	s3 =	simm.s32 $0x0;
	[sflag:s18] =	ssyncadd.s32 $0xFFFFF000  }
0x63: {  	[tilespmem:s3], [sflag:$0x5] =	stream.linear.gather [hbm4b:s11+s3], $0x800, $0x38;
	[tilespmem:$0x1F8C0] =	vst v63  }
0x64: {  	_ = 	snop  }
0x65: {  	[tilespmem:s16], [sflag:$0x5] =	stream.linear.gather [hbm4b:s12+s3], $0x800, $0x38;
	[tilespmem:$0x1F8C0] =	vst v63  }
0x66: {  	_ = 	snop  }
0x67: {  	[tilespmem:s22], [sflag:$0x1] =	stream.indirect.gather [hbm4b:s10+s21], $0x80, s19, s21, $0xb8;
	[tilespmem:$0x1F8C0] =	vst v63  }
0x68: {  	s3 =	simm.s32 $0x1080  }
0x69: {  	[tilespmem:s23], [sflag:$0x2] =	stream.indirect.gather [hbm4b:s10+s21], $0x80, s3, s21, $0xb8;
	[tilespmem:$0x1F8C0] =	vst v63  }
0x6a: {  	_ =	swait.ge [sflag:s24], $0x4000  }
0x6b: {  	[sflag:s24] =	ssyncset.done $0x0  }
0x6c: {  	s3 =	simm.s32 $0x3000;
	[sflag:s24] =	ssyncadd.s32 $0xFFFFC000  }
0x6d: {  	[spmem:s1] =	stream.indirect.scatter.add.f32 [tilespmem:s22], [sflag:$0x3], $0x80, s3, s21, $0xb8;
	[tilespmem:$0x1F8C0] =	vst v63  }
0x6e: {  	_ =	swait.ge [sflag:s25], $0x4000  }
0x6f: {  	[sflag:s25] =	ssyncset.done $0x0  }
0x70: {  	s3 =	simm.s32 $0x1100;
	[sflag:s25] =	ssyncadd.s32 $0xFFFFC000  }
0x71: {  	[tilespmem:s22], [sflag:$0x1] =	stream.indirect.gather [hbm4b:s10+s21], $0x80, s3, s21, $0xb8;
	[tilespmem:$0x1F8C0] =	vst v63  }
0x72: {  	_ =	swait.ge [sflag:s26], $0x4000  }
0x73: {  	[sflag:s26] =	ssyncset.done $0x0  }
0x74: {  	s3 =	simm.s32 $0x3080;
	[sflag:s26] =	ssyncadd.s32 $0xFFFFC000  }
0x75: {  	[spmem:s1] =	stream.indirect.scatter.add.f32 [tilespmem:s23], [sflag:$0x4], $0x80, s3, s21, $0xb8;
	[tilespmem:$0x1F8C0] =	vst v63  }
0x76: {  	_ =	swait.ge [sflag:s28], $0x4000  }
0x77: {  	[sflag:s28] =	ssyncset.done $0x0  }
0x78: {  	s29 =	simm.s32 $0x400;
	s30 =	simm.s32 $0x1180;
	[sflag:s28] =	ssyncadd.s32 $0xFFFFC000  }
.LBB2_4:
0x79: {  	[tilespmem:s23], [sflag:$0x2] =	stream.indirect.gather [hbm4b:s10+s21], $0x80, s30, s21, $0xb8;
	[tilespmem:$0x1F8C0] =	vst v63  }
0x7a: {  	s3 =	smov.u32 s29  }
0x7b: {  	p1 =	sne.s32 s29, $0x3800;
	s29 =	sadd.s32 $0x400, s29;
	_ =	swait.ge [sflag:s24], $0x4000  }
0x7c: {  	s3 =	sshra.s32 s3, $0x2;
	[sflag:s24] =	ssyncset.done $0x0  }
0x7d: {  	s30 =	sadd.s32 $0x3000, s3;
	[sflag:s24] =	ssyncadd.s32 $0xFFFFC000  }
0x7e: {  	[spmem:s1] =	stream.indirect.scatter.add.f32 [tilespmem:s22], [sflag:$0x3], $0x80, s30, s21, $0xb8;
	[tilespmem:$0x1F8C0] =	vst v63  }
0x7f: {  	_ =	swait.ge [sflag:s25], $0x4000  }
0x80: {  	[sflag:s25] =	ssyncset.done $0x0  }
0x81: {  	s30 =	sadd.s32 $0x1100, s3;
	[sflag:s25] =	ssyncadd.s32 $0xFFFFC000  }
0x82: {  	[tilespmem:s22], [sflag:$0x1] =	stream.indirect.gather [hbm4b:s10+s21], $0x80, s30, s21, $0xb8;
	[tilespmem:$0x1F8C0] =	vst v63  }
0x83: {  	_ =	swait.ge [sflag:s26], $0x4000  }
0x84: {  	[sflag:s26] =	ssyncset.done $0x0  }
.Ltmp1:
0x85: {  	s30 =	sadd.s32 $0x3080, s3;
	[sflag:s26] =	ssyncadd.s32 $0xFFFFC000;
	(pc) =	sbr.rel @p1 .LBB2_4-.Ltmp1, $4  }
0x86: {  	[spmem:s1] =	stream.indirect.scatter.add.f32 [tilespmem:s23], [sflag:$0x4], $0x80, s30, s21, $0xb8;
	[tilespmem:$0x1F8C0] =	vst v63  }
0x87: {  	_ =	swait.ge [sflag:s28], $0x4000  }
0x88: {  	[sflag:s28] =	ssyncset.done $0x0  }
0x89: {  	s30 =	sadd.s32 $0x1180, s3;
	[sflag:s28] =	ssyncadd.s32 $0xFFFFC000  }
0x8a: {  	[tilespmem:s23], [sflag:$0x2] =	stream.indirect.gather [hbm4b:s10+s21], $0x80, s30, s21, $0xb8;
	[tilespmem:$0x1F8C0] =	vst v63  }
0x8b: {  	_ =	swait.ge [sflag:s24], $0x4000  }
0x8c: {  	[sflag:s24] =	ssyncset.done $0x0  }
0x8d: {  	s3 =	simm.s32 $0x3F00;
	[sflag:s24] =	ssyncadd.s32 $0xFFFFC000  }
0x8e: {  	[spmem:s1] =	stream.indirect.scatter.add.f32 [tilespmem:s22], [sflag:$0x3], $0x80, s3, s21, $0xb8;
	[tilespmem:$0x1F8C0] =	vst v63  }
0x8f: {  	_ =	swait.ge [sflag:s26], $0x4000  }
0x90: {  	[sflag:s26] =	ssyncset.done $0x0  }
0x91: {  	s29 =	simm.s32 $0x3F80;
	[sflag:s26] =	ssyncadd.s32 $0xFFFFC000  }
0x92: {  	[spmem:s1] =	stream.indirect.scatter.add.f32 [tilespmem:s23], [sflag:$0x4], $0x80, s29, s21, $0xb8;
	[tilespmem:$0x1F8C0] =	vst v63  }
0x93: {  	_ =	swait.ge [sflag:s25], $0x4000  }
0x94: {  	[sflag:s25] =	ssyncset.done $0x0  }
0x95: {  	[sflag:s25] =	ssyncadd.s32 $0xFFFFC000  }
0x96: {  	_ =	swait.ge [sflag:s28], $0x4000  }
0x97: {  	[sflag:s28] =	ssyncset.done $0x0  }
0x98: {  	[sflag:s28] =	ssyncadd.s32 $0xFFFFC000  }
0x99: {  	_ =	swait.ge [sflag:s18], $0x800  }
0x9a: {  	[sflag:s18] =	ssyncset.done $0x0  }
0x9b: {  	[sflag:s18] =	ssyncadd.s32 $0xFFFFF800  }
0x9c: {  	_ =	swait.ge [sflag:s18], $0x800  }
0x9d: {  	[sflag:s18] =	ssyncset.done $0x0  }
0x9e: {  	[sflag:s18] =	ssyncadd.s32 $0xFFFFF800  }
0x9f: {  	[tilespmem:s22], [sflag:$0x1] =	stream.indirect.gather [hbm4b:s10+s21], $0x80, s2, s21, $0xb8;
	[tilespmem:$0x1F8C0] =	vst v63  }
0xa0: {  	_ = 	snop  }
0xa1: {  	[tilespmem:s23], [sflag:$0x2] =	stream.indirect.gather [hbm4b:s10+s21], $0x80, s21, s21, $0xb8;
	[tilespmem:$0x1F8C0] =	vst v63  }
0xa2: {  	_ =	swait.ge [sflag:s24], $0x4000  }
0xa3: {  	[sflag:s24] =	ssyncset.done $0x0  }
0xa4: {  	[sflag:s24] =	ssyncadd.s32 $0xFFFFC000  }
0xa5: {  	[spmem:s1] =	stream.indirect.scatter.add.f32 [tilespmem:s22], [sflag:$0x3], $0x80, s16, s21, $0xb8;
	[tilespmem:$0x1F8C0] =	vst v63  }
0xa6: {  	_ =	swait.ge [sflag:s25], $0x4000  }
0xa7: {  	[sflag:s25] =	ssyncset.done $0x0  }
0xa8: {  	s30 =	simm.s32 $0x100;
	[sflag:s25] =	ssyncadd.s32 $0xFFFFC000  }
0xa9: {  	[tilespmem:s22], [sflag:$0x1] =	stream.indirect.gather [hbm4b:s10+s21], $0x80, s30, s21, $0xb8;
	[tilespmem:$0x1F8C0] =	vst v63  }
0xaa: {  	_ =	swait.ge [sflag:s26], $0x4000  }
0xab: {  	[sflag:s26] =	ssyncset.done $0x0  }
0xac: {  	s29 =	simm.s32 $0x2080;
	[sflag:s26] =	ssyncadd.s32 $0xFFFFC000  }
0xad: {  	[spmem:s1] =	stream.indirect.scatter.add.f32 [tilespmem:s23], [sflag:$0x4], $0x80, s29, s21, $0xb8;
	[tilespmem:$0x1F8C0] =	vst v63  }
0xae: {  	_ =	swait.ge [sflag:s28], $0x4000  }
0xaf: {  	[sflag:s28] =	ssyncset.done $0x0  }
0xb0: {  	s30 =	simm.s32 $0x180;
	[sflag:s28] =	ssyncadd.s32 $0xFFFFC000  }
0xb1: {  	[tilespmem:s23], [sflag:$0x2] =	stream.indirect.gather [hbm4b:s10+s21], $0x80, s30, s21, $0xb8;
	[tilespmem:$0x1F8C0] =	vst v63  }
0xb2: {  	_ =	swait.ge [sflag:s24], $0x4000  }
0xb3: {  	[sflag:s24] =	ssyncset.done $0x0  }
0xb4: {  	s29 =	simm.s32 $0x2100;
	[sflag:s24] =	ssyncadd.s32 $0xFFFFC000  }
0xb5: {  	[spmem:s1] =	stream.indirect.scatter.add.f32 [tilespmem:s22], [sflag:$0x3], $0x80, s29, s21, $0xb8;
	[tilespmem:$0x1F8C0] =	vst v63  }
0xb6: {  	_ =	swait.ge [sflag:s25], $0x4000  }
0xb7: {  	[sflag:s25] =	ssyncset.done $0x0  }
0xb8: {  	s30 =	simm.s32 $0x200;
	[sflag:s25] =	ssyncadd.s32 $0xFFFFC000  }
0xb9: {  	[tilespmem:s22], [sflag:$0x1] =	stream.indirect.gather [hbm4b:s10+s21], $0x80, s30, s21, $0xb8;
	[tilespmem:$0x1F8C0] =	vst v63  }
0xba: {  	_ =	swait.ge [sflag:s26], $0x4000  }
0xbb: {  	[sflag:s26] =	ssyncset.done $0x0  }
0xbc: {  	s29 =	simm.s32 $0x2180;
	[sflag:s26] =	ssyncadd.s32 $0xFFFFC000  }
0xbd: {  	[spmem:s1] =	stream.indirect.scatter.add.f32 [tilespmem:s23], [sflag:$0x4], $0x80, s29, s21, $0xb8;
	[tilespmem:$0x1F8C0] =	vst v63  }
0xbe: {  	_ =	swait.ge [sflag:s28], $0x4000  }
0xbf: {  	[sflag:s28] =	ssyncset.done $0x0  }
0xc0: {  	s30 =	simm.s32 $0x280;
	[sflag:s28] =	ssyncadd.s32 $0xFFFFC000  }
0xc1: {  	[tilespmem:s23], [sflag:$0x2] =	stream.indirect.gather [hbm4b:s10+s21], $0x80, s30, s21, $0xb8;
	[tilespmem:$0x1F8C0] =	vst v63  }
0xc2: {  	_ =	swait.ge [sflag:s24], $0x4000  }
0xc3: {  	[sflag:s24] =	ssyncset.done $0x0  }
0xc4: {  	s29 =	simm.s32 $0x2200;
	[sflag:s24] =	ssyncadd.s32 $0xFFFFC000  }
0xc5: {  	[spmem:s1] =	stream.indirect.scatter.add.f32 [tilespmem:s22], [sflag:$0x3], $0x80, s29, s21, $0xb8;
	[tilespmem:$0x1F8C0] =	vst v63  }
0xc6: {  	_ =	swait.ge [sflag:s25], $0x4000  }
0xc7: {  	[sflag:s25] =	ssyncset.done $0x0  }
0xc8: {  	s30 =	simm.s32 $0x300;
	[sflag:s25] =	ssyncadd.s32 $0xFFFFC000  }
0xc9: {  	[tilespmem:s22], [sflag:$0x1] =	stream.indirect.gather [hbm4b:s10+s21], $0x80, s30, s21, $0xb8;
	[tilespmem:$0x1F8C0] =	vst v63  }
0xca: {  	_ =	swait.ge [sflag:s26], $0x4000  }
0xcb: {  	[sflag:s26] =	ssyncset.done $0x0  }
0xcc: {  	s29 =	simm.s32 $0x2280;
	[sflag:s26] =	ssyncadd.s32 $0xFFFFC000  }
0xcd: {  	[spmem:s1] =	stream.indirect.scatter.add.f32 [tilespmem:s23], [sflag:$0x4], $0x80, s29, s21, $0xb8;
	[tilespmem:$0x1F8C0] =	vst v63  }
0xce: {  	_ =	swait.ge [sflag:s28], $0x4000  }
0xcf: {  	[sflag:s28] =	ssyncset.done $0x0  }
0xd0: {  	s30 =	simm.s32 $0x380;
	[sflag:s28] =	ssyncadd.s32 $0xFFFFC000  }
0xd1: {  	[tilespmem:s23], [sflag:$0x2] =	stream.indirect.gather [hbm4b:s10+s21], $0x80, s30, s21, $0xb8;
	[tilespmem:$0x1F8C0] =	vst v63  }
0xd2: {  	_ =	swait.ge [sflag:s24], $0x4000  }
0xd3: {  	[sflag:s24] =	ssyncset.done $0x0  }
0xd4: {  	s29 =	simm.s32 $0x2300;
	[sflag:s24] =	ssyncadd.s32 $0xFFFFC000  }
0xd5: {  	[spmem:s1] =	stream.indirect.scatter.add.f32 [tilespmem:s22], [sflag:$0x3], $0x80, s29, s21, $0xb8;
	[tilespmem:$0x1F8C0] =	vst v63  }
0xd6: {  	_ =	swait.ge [sflag:s25], $0x4000  }
0xd7: {  	[sflag:s25] =	ssyncset.done $0x0  }
0xd8: {  	s30 =	simm.s32 $0x400;
	[sflag:s25] =	ssyncadd.s32 $0xFFFFC000  }
0xd9: {  	[tilespmem:s22], [sflag:$0x1] =	stream.indirect.gather [hbm4b:s10+s21], $0x80, s30, s21, $0xb8;
	[tilespmem:$0x1F8C0] =	vst v63  }
0xda: {  	_ =	swait.ge [sflag:s26], $0x4000  }
0xdb: {  	[sflag:s26] =	ssyncset.done $0x0  }
0xdc: {  	s29 =	simm.s32 $0x2380;
	[sflag:s26] =	ssyncadd.s32 $0xFFFFC000  }
0xdd: {  	[spmem:s1] =	stream.indirect.scatter.add.f32 [tilespmem:s23], [sflag:$0x4], $0x80, s29, s21, $0xb8;
	[tilespmem:$0x1F8C0] =	vst v63  }
0xde: {  	_ =	swait.ge [sflag:s28], $0x4000  }
0xdf: {  	[sflag:s28] =	ssyncset.done $0x0  }
0xe0: {  	s30 =	simm.s32 $0x480;
	[sflag:s28] =	ssyncadd.s32 $0xFFFFC000  }
0xe1: {  	[tilespmem:s23], [sflag:$0x2] =	stream.indirect.gather [hbm4b:s10+s21], $0x80, s30, s21, $0xb8;
	[tilespmem:$0x1F8C0] =	vst v63  }
0xe2: {  	_ =	swait.ge [sflag:s24], $0x4000  }
0xe3: {  	[sflag:s24] =	ssyncset.done $0x0  }
0xe4: {  	s29 =	simm.s32 $0x2400;
	[sflag:s24] =	ssyncadd.s32 $0xFFFFC000  }
0xe5: {  	[spmem:s1] =	stream.indirect.scatter.add.f32 [tilespmem:s22], [sflag:$0x3], $0x80, s29, s21, $0xb8;
	[tilespmem:$0x1F8C0] =	vst v63  }
0xe6: {  	_ =	swait.ge [sflag:s25], $0x4000  }
0xe7: {  	[sflag:s25] =	ssyncset.done $0x0  }
0xe8: {  	s30 =	simm.s32 $0x500;
	[sflag:s25] =	ssyncadd.s32 $0xFFFFC000  }
0xe9: {  	[tilespmem:s22], [sflag:$0x1] =	stream.indirect.gather [hbm4b:s10+s21], $0x80, s30, s21, $0xb8;
	[tilespmem:$0x1F8C0] =	vst v63  }
0xea: {  	_ =	swait.ge [sflag:s26], $0x4000  }
0xeb: {  	[sflag:s26] =	ssyncset.done $0x0  }
0xec: {  	s29 =	simm.s32 $0x2480;
	[sflag:s26] =	ssyncadd.s32 $0xFFFFC000  }
0xed: {  	[spmem:s1] =	stream.indirect.scatter.add.f32 [tilespmem:s23], [sflag:$0x4], $0x80, s29, s21, $0xb8;
	[tilespmem:$0x1F8C0] =	vst v63  }
0xee: {  	_ =	swait.ge [sflag:s28], $0x4000  }
0xef: {  	[sflag:s28] =	ssyncset.done $0x0  }
0xf0: {  	s30 =	simm.s32 $0x580;
	[sflag:s28] =	ssyncadd.s32 $0xFFFFC000  }
0xf1: {  	[tilespmem:s23], [sflag:$0x2] =	stream.indirect.gather [hbm4b:s10+s21], $0x80, s30, s21, $0xb8;
	[tilespmem:$0x1F8C0] =	vst v63  }
0xf2: {  	_ =	swait.ge [sflag:s24], $0x4000  }
0xf3: {  	[sflag:s24] =	ssyncset.done $0x0  }
0xf4: {  	s29 =	simm.s32 $0x2500;
	[sflag:s24] =	ssyncadd.s32 $0xFFFFC000  }
0xf5: {  	[spmem:s1] =	stream.indirect.scatter.add.f32 [tilespmem:s22], [sflag:$0x3], $0x80, s29, s21, $0xb8;
	[tilespmem:$0x1F8C0] =	vst v63  }
0xf6: {  	_ =	swait.ge [sflag:s25], $0x4000  }
0xf7: {  	[sflag:s25] =	ssyncset.done $0x0  }
0xf8: {  	s30 =	simm.s32 $0x600;
	[sflag:s25] =	ssyncadd.s32 $0xFFFFC000  }
0xf9: {  	[tilespmem:s22], [sflag:$0x1] =	stream.indirect.gather [hbm4b:s10+s21], $0x80, s30, s21, $0xb8;
	[tilespmem:$0x1F8C0] =	vst v63  }
0xfa: {  	_ =	swait.ge [sflag:s26], $0x4000  }
0xfb: {  	[sflag:s26] =	ssyncset.done $0x0  }
0xfc: {  	s29 =	simm.s32 $0x2580;
	[sflag:s26] =	ssyncadd.s32 $0xFFFFC000  }
0xfd: {  	[spmem:s1] =	stream.indirect.scatter.add.f32 [tilespmem:s23], [sflag:$0x4], $0x80, s29, s21, $0xb8;
	[tilespmem:$0x1F8C0] =	vst v63  }
0xfe: {  	_ =	swait.ge [sflag:s28], $0x4000  }
0xff: {  	[sflag:s28] =	ssyncset.done $0x0  }
0x100: {  	s30 =	simm.s32 $0x680;
	[sflag:s28] =	ssyncadd.s32 $0xFFFFC000  }
0x101: {  	[tilespmem:s23], [sflag:$0x2] =	stream.indirect.gather [hbm4b:s10+s21], $0x80, s30, s21, $0xb8;
	[tilespmem:$0x1F8C0] =	vst v63  }
0x102: {  	_ =	swait.ge [sflag:s24], $0x4000  }
0x103: {  	[sflag:s24] =	ssyncset.done $0x0  }
0x104: {  	s29 =	simm.s32 $0x2600;
	[sflag:s24] =	ssyncadd.s32 $0xFFFFC000  }
0x105: {  	[spmem:s1] =	stream.indirect.scatter.add.f32 [tilespmem:s22], [sflag:$0x3], $0x80, s29, s21, $0xb8;
	[tilespmem:$0x1F8C0] =	vst v63  }
0x106: {  	_ =	swait.ge [sflag:s25], $0x4000  }
0x107: {  	[sflag:s25] =	ssyncset.done $0x0  }
0x108: {  	s30 =	simm.s32 $0x700;
	[sflag:s25] =	ssyncadd.s32 $0xFFFFC000  }
0x109: {  	[tilespmem:s22], [sflag:$0x1] =	stream.indirect.gather [hbm4b:s10+s21], $0x80, s30, s21, $0xb8;
	[tilespmem:$0x1F8C0] =	vst v63  }
0x10a: {  	_ =	swait.ge [sflag:s26], $0x4000  }
0x10b: {  	[sflag:s26] =	ssyncset.done $0x0  }
0x10c: {  	s29 =	simm.s32 $0x2680;
	[sflag:s26] =	ssyncadd.s32 $0xFFFFC000  }
0x10d: {  	[spmem:s1] =	stream.indirect.scatter.add.f32 [tilespmem:s23], [sflag:$0x4], $0x80, s29, s21, $0xb8;
	[tilespmem:$0x1F8C0] =	vst v63  }
0x10e: {  	_ =	swait.ge [sflag:s28], $0x4000  }
0x10f: {  	[sflag:s28] =	ssyncset.done $0x0  }
0x110: {  	s30 =	simm.s32 $0x780;
	[sflag:s28] =	ssyncadd.s32 $0xFFFFC000  }
0x111: {  	[tilespmem:s23], [sflag:$0x2] =	stream.indirect.gather [hbm4b:s10+s21], $0x80, s30, s21, $0xb8;
	[tilespmem:$0x1F8C0] =	vst v63  }
0x112: {  	_ =	swait.ge [sflag:s24], $0x4000  }
0x113: {  	[sflag:s24] =	ssyncset.done $0x0  }
0x114: {  	s29 =	simm.s32 $0x2700;
	[sflag:s24] =	ssyncadd.s32 $0xFFFFC000  }
0x115: {  	[spmem:s1] =	stream.indirect.scatter.add.f32 [tilespmem:s22], [sflag:$0x3], $0x80, s29, s21, $0xb8;
	[tilespmem:$0x1F8C0] =	vst v63  }
0x116: {  	_ =	swait.ge [sflag:s26], $0x4000  }
0x117: {  	[sflag:s26] =	ssyncset.done $0x0  }
0x118: {  	s30 =	simm.s32 $0x2780;
	[sflag:s26] =	ssyncadd.s32 $0xFFFFC000  }
0x119: {  	[spmem:s1] =	stream.indirect.scatter.add.f32 [tilespmem:s23], [sflag:$0x4], $0x80, s30, s21, $0xb8;
	[tilespmem:$0x1F8C0] =	vst v63  }
0x11a: {  	_ =	swait.ge [sflag:s25], $0x4000  }
0x11b: {  	[sflag:s25] =	ssyncset.done $0x0  }
0x11c: {  	[sflag:s25] =	ssyncadd.s32 $0xFFFFC000  }
0x11d: {  	_ =	swait.ge [sflag:s28], $0x4000  }
0x11e: {  	[sflag:s28] =	ssyncset.done $0x0  }
0x11f: {  	[sflag:s28] =	ssyncadd.s32 $0xFFFFC000  }
0x120: {  	s3 =	simm.s32 @p0 $0x1FC6;
	[bflag:$0x0] =	sbarrier.arrive $0xFFFF  }
0x121: {  	[hbm:s14], [sflag:s3] =	dma.local @p0 [spmem:s17], $0x2080  }
0x122: {  	s3 =	simm.s32 @p0 $0x6  }
0x123: {  	_ =	swait.ge @p0 [sflag:s3], $0x2080  }
0x124: {  	s31 =	sadd.s32 $0x1, s31;
	[sflag:s3] =	ssyncset.done @p0 $0x0  }
0x125: {  	p1 =	sne.s32 s31, s15;
	[sflag:s3] =	ssyncadd.s32 @p0 $0xFFFFDF80  }
0x126: {  	[hbm:s13], [sflag:s0] =	dma.local @!p0 [spmem:s20], $0x2780  }
.Ltmp2:
0x127: {  	_ = 	snop;
	(pc) =	sbr.rel @p1 .LBB2_1-.Ltmp2, $4  }
0x128: {  	s0 =	simm.s32 @!p0 $0x6  }
0x129: {  	_ =	swait.ge @!p0 [sflag:s0], $0x2780  }
0x12a: {  	[sflag:s0] =	ssyncset.done @!p0 $0x0  }
0x12b: {  	[sflag:s0] =	ssyncadd.s32 @!p0 $0xFFFFD880  }
0x12c: {  	_ =	sfence.sel $0x180000  }
0x12d: {  	[bflag:$0x0] =	sbarrier.arrive $0xFFFF  }
0x12e: {  	_ =	strace $0x90000047  }
0x12f: {  	s0 =	stileid.u32;
	[bflag:$0x2] =	sbarrier.arrive $0xFFFF  }
0x130: {  	p0 =	sne.s32 s0, $0x0;
	s0 =	rddreg [dreg:$0x2]  }
0x131: {  	s0 =	sadd.s32 @!p0 $0x100000, s0  }
0x132: {  	[sflag:s0] =	ssyncadd.tile.s32 @!p0 $0x1;
	_ =	shalt  }
.Lfunc_end2:
_tile_overlayer_lowered:
.L_overlay_start_2:
0x133: {  	(tag) =	ssettag $0x2  }
0x134: {  	s0 =	rddreg [dreg:$0x0];
	s2 =	stileid.u32  }
0x135: {  	s1 =	rddreg [dreg:$0x1];
	p0 =	sne.s32 s2, $0x0  }
0x136: {  	s3 =	rddreg [dreg:$0x2];
	[bflag:$0x3] =	sbarrier.arrive $0xFFFF;
	s2 =	simm.s32 @!p0 $0x1C06  }
0x137: {  	[timem:s3], [sflag:s2] =	dma.local @!p0 [hbm:s0], s1  }
0x138: {  	s0 =	simm.s32 @!p0 $0x6  }
0x139: {  	_ =	swait.ge @!p0 [sflag:s0], s1  }
0x13a: {  	s1 =	ssub.s32 @!p0 $0x0, s1;
	[sflag:s0] =	ssyncset.done @!p0 $0x0  }
0x13b: {  	[sflag:s0] =	ssyncadd.s32 @!p0 s1  }
0x13c: {  	[bflag:$0x3] =	sbarrier.arrive $0xFFFF  }
0x13d: {  	_ =	shalt  }

</sc_bundles>
